<compile_context>
chip_gen: v7x
topology: tpu7x:2x2x1
jax: 0.10.2.dev20260603
libtpu: 0.0.44.dev20260713+nightly
codegen_flags: <defaults>
</compile_context>

<pallas_src>
import functools
import math

import jax
import jax.numpy as jnp
import ml_dtypes
import numpy as np
from jax import lax
from jax.experimental import pallas as pl
from jax.experimental.pallas import tpu as pltpu
from jax.experimental.pallas import tpu_sc as plsc

_D = 128
_SEQ = 2048
_LANES = 16
_CHUNKS = 4


def _pos_table(length, depth):
    pos = np.arange(length, dtype=np.float32)[:, None]
    i = np.arange(depth)[None, :]
    angle = (pos * i / np.power(10000.0, (2 * (i // 2)) / depth)).astype(np.float32)
    angle[:, 0::2] = np.sin(angle[:, 0::2])
    angle[:, 1::2] = np.cos(angle[:, 1::2])
    return angle


def _packed_pos(length, depth):
    p16 = _pos_table(length, depth).astype(ml_dtypes.bfloat16).view(np.uint16)
    blocks = p16.reshape(length, depth // 32, 2, 16).astype(np.uint32)
    packed = blocks[:, :, 0, :] | (blocks[:, :, 1, :] << 16)
    return packed.reshape(length, depth // 2).view(np.int32)


def _sc_embed(x, table, pos):
    batch, length = x.shape
    info = plsc.get_sparse_core_info()
    nw = info.num_cores * info.num_subcores
    rows_w = (batch * length) // nw
    blocks_s = length // rows_w
    rows_c = rows_w // _CHUNKS
    scale = math.sqrt(float(table.shape[1]))

    mesh = plsc.VectorSubcoreMesh(core_axis_name="c", subcore_axis_name="s")

    scratch = [
        pltpu.VMEM((rows_w,), jnp.int32),
        pltpu.VMEM((rows_w, _D), jnp.float32),
        pltpu.VMEM((rows_w, _D // 2), jnp.int32),
        pltpu.SemaphoreType.DMA,
        pltpu.SemaphoreType.DMA,
        pltpu.SemaphoreType.DMA,
        pltpu.SemaphoreType.DMA,
        pltpu.SemaphoreType.DMA,
        pltpu.SemaphoreType.DMA,
        pltpu.SemaphoreType.DMA,
        pltpu.SemaphoreType.DMA,
        pltpu.SemaphoreType.DMA,
    ]

    @functools.partial(
        pl.kernel,
        out_type=jax.ShapeDtypeStruct((batch, length, _D), jnp.float32),
        mesh=mesh,
        scratch_types=scratch,
    )
    def body(x_hbm, table_hbm, pos_hbm, out_hbm, idx_v, rows_v, pos_v,
             g0, g1, g2, g3, p0, p1, p2, p3, wsem):
        gsems = [g0, g1, g2, g3]
        psems = [p0, p1, p2, p3]
        wid = lax.axis_index("s") * info.num_cores + lax.axis_index("c")
        b = wid // blocks_s
        s0 = (wid % blocks_s) * rows_w

        hi_mask = jnp.int32(-65536)

        pcopies = []
        for k in range(_CHUNKS):
            o = k * rows_c
            pcopies.append(pltpu.async_copy(
                pos_hbm.at[pl.ds(s0 + o, rows_c)],
                pos_v.at[pl.ds(o, rows_c)],
                psems[k],
            ))
        pltpu.sync_copy(x_hbm.at[b, pl.ds(s0, rows_w)], idx_v)
        gathers = []
        for k in range(_CHUNKS):
            o = k * rows_c
            gathers.append(pltpu.async_copy(
                table_hbm.at[idx_v.at[pl.ds(o, rows_c)]],
                rows_v.at[pl.ds(o, rows_c)],
                gsems[k],
            ))

        writes = []
        for k in range(_CHUNKS):
            o = k * rows_c
            gathers[k].wait()
            pcopies[k].wait()

            def row_step(r, _):
                for c in range(_D // 32):
                    w = pos_v[o + r, pl.ds(c * _LANES, _LANES)]
                    lo = lax.bitcast_convert_type(
                        lax.shift_left(w, 16), jnp.float32)
                    hi = lax.bitcast_convert_type(
                        lax.bitwise_and(w, hi_mask), jnp.float32)
                    sl0 = pl.ds(c * 32, _LANES)
                    sl1 = pl.ds(c * 32 + _LANES, _LANES)
                    rows_v[o + r, sl0] = rows_v[o + r, sl0] * scale + lo
                    rows_v[o + r, sl1] = rows_v[o + r, sl1] * scale + hi
                return 0

            lax.fori_loop(0, rows_c, row_step, 0)
            writes.append(pltpu.async_copy(
                rows_v.at[pl.ds(o, rows_c)],
                out_hbm.at[b, pl.ds(s0 + o, rows_c)],
                wsem,
            ))
        for wr in writes:
            wr.wait()

    return body(x, table, pos)


def kernel(x, table):
    if x.dtype != jnp.int32:
        x = x.astype(jnp.int32)
    pos = jnp.asarray(_packed_pos(_SEQ, table.shape[1])[: x.shape[1], :])
    return _sc_embed(x, table, pos)

# --- scband reference (transcript-rebuilt; emitter-appended) ---
"""Pipeline reference for scband-positional-embedding-26156350832916 (READ-ONLY COPY).

The authoritative reference and input builder live on the scoring server;
editing this copy changes nothing except your own understanding.
"""

import jax, jax.numpy as jnp
import numpy as np
import math

VOCAB_SIZE = 100000
D_MODEL = 128
BATCH = 4
SEQ_LEN = 2048


def positional_encoding(length, depth):
    pos = jnp.arange(length, dtype=jnp.float32)[:, None]
    i = jnp.arange(depth)[None, :]
    angle_rads = pos * i / jnp.power(10000.0, (2 * (i // 2)) / depth)
    angle_rads = angle_rads.at[:, 0::2].set(jnp.sin(angle_rads[:, 0::2]))
    angle_rads = angle_rads.at[:, 1::2].set(jnp.cos(angle_rads[:, 1::2]))
    return angle_rads


def setup_inputs(seed: int = 0) -> dict:
    key = jax.random.key(seed)
    k1, k2 = jax.random.split(key)
    x = jax.random.randint(k1, (BATCH, SEQ_LEN), 0, VOCAB_SIZE)
    table = jax.random.normal(k2, (VOCAB_SIZE, D_MODEL), dtype=jnp.float32)
    table = table.at[0].set(0.0)  # padding_idx=0 row is zeroed, matching nn.Embedding(padding_idx=0)
    return {"x": x, "table": table}


def reference(x, table):
    d_model = table.shape[1]
    length = x.shape[1]
    emb = jnp.take(table, x, axis=0)  # embedding gather
    emb = emb * math.sqrt(d_model)
    pos = positional_encoding(2048, d_model)[:length, :]
    return emb + pos[None, :, :]

if __name__ == "__main__":
    import jax
    _d = setup_inputs()
    print(jax.jit(kernel)(*tuple(_d.values())))

</pallas_src>

<mosaic_0001>
#map = affine_map<(d0, d1) -> (0, 0)>
#map1 = affine_map<(d0, d1) -> (0, 0, 0)>
module attributes {stable_mosaic.version = 14 : i64} {
  func.func @body(%arg0: i32, %arg1: i32, %arg2: memref<4x2048xi32, #tpu.memory_space<hbm>>, %arg3: memref<100000x128xf32, #tpu.memory_space<hbm>>, %arg4: memref<2048x64xi32, #tpu.memory_space<hbm>>, %arg5: memref<4x2048x128xf32, #tpu.memory_space<hbm>>, %arg6: memref<256xi32, #tpu.memory_space<vmem>>, %arg7: memref<256x128xf32, #tpu.memory_space<vmem>>, %arg8: memref<256x64xi32, #tpu.memory_space<vmem>>, %arg9: memref<!tpu.dma_semaphore, #tpu.memory_space<semaphore_mem>>, %arg10: memref<!tpu.dma_semaphore, #tpu.memory_space<semaphore_mem>>, %arg11: memref<!tpu.dma_semaphore, #tpu.memory_space<semaphore_mem>>, %arg12: memref<!tpu.dma_semaphore, #tpu.memory_space<semaphore_mem>>, %arg13: memref<!tpu.dma_semaphore, #tpu.memory_space<semaphore_mem>>, %arg14: memref<!tpu.dma_semaphore, #tpu.memory_space<semaphore_mem>>, %arg15: memref<!tpu.dma_semaphore, #tpu.memory_space<semaphore_mem>>, %arg16: memref<!tpu.dma_semaphore, #tpu.memory_space<semaphore_mem>>, %arg17: memref<!tpu.dma_semaphore, #tpu.memory_space<semaphore_mem>>) attributes {dimension_semantics = [#tpu.dimension_semantics<core_parallel>, #tpu.dimension_semantics<subcore_parallel>], iteration_bounds = array<i64: 2, 16>, scalar_prefetch = 0 : i64, scratch_operands = 12 : i64, tpu.core_type = #tpu.core_type<sc_vector_subcore>, window_params = [{transform_indices = #map}, {transform_indices = #map}, {transform_indices = #map}, {transform_indices = #map1}]} {
    %mul3A = arith.constant 2 : i32
    %mul3A_0 = arith.muli %arg1, %mul3A : i32
    %add3A = arith.addi %mul3A_0, %arg0 : i32
    %jit3A = arith.constant 8 : i32
    %div3A = arith.divsi %add3A, %jit3A : i32
    %sign3A = arith.constant 0 : i32
    %sign3A_1 = arith.cmpi sgt, %add3A, %sign3A : i32
    %sign3A_2 = arith.extui %sign3A_1 : i1 to i32
    %sign3A_3 = arith.constant 0 : i32
    %sign3A_4 = arith.cmpi slt, %add3A, %sign3A_3 : i32
    %sign3A_5 = arith.extui %sign3A_4 : i1 to i32
    %sign3A_6 = arith.subi %sign3A_2, %sign3A_5 : i32
    %sign3A_7 = arith.constant 0 : i32
    %sign3A_8 = arith.cmpi sgt, %jit3A, %sign3A_7 : i32
    %sign3A_9 = arith.extui %sign3A_8 : i1 to i32
    %sign3A_10 = arith.constant 0 : i32
    %sign3A_11 = arith.cmpi slt, %jit3A, %sign3A_10 : i32
    %sign3A_12 = arith.extui %sign3A_11 : i1 to i32
    %sign3A_13 = arith.subi %sign3A_9, %sign3A_12 : i32
    %ne3A = arith.cmpi ne, %sign3A_6, %sign3A_13 : i32
    %rem3A = arith.remsi %add3A, %jit3A : i32
    %ne3A_14 = arith.constant 0 : i32
    %ne3A_15 = arith.cmpi ne, %rem3A, %ne3A_14 : i32
    %and3A = arith.andi %ne3A, %ne3A_15 : i1
    %sub3A = arith.constant 1 : i32
    %sub3A_16 = arith.subi %div3A, %sub3A : i32
    %select_n3A = arith.select %and3A, %sub3A_16, %div3A : i32
    %jit3A_17 = arith.constant 8 : i32
    %eq3A = arith.constant 0 : i32
    %eq3A_18 = arith.cmpi eq, %jit3A_17, %eq3A : i32
    %jit3A_19 = arith.constant 1 : i32
    %select_n3A_20 = arith.select %eq3A_18, %jit3A_19, %jit3A_17 : i32
    %rem3A_21 = arith.remsi %add3A, %select_n3A_20 : i32
    %ne3A_22 = arith.constant 0 : i32
    %ne3A_23 = arith.cmpi ne, %rem3A_21, %ne3A_22 : i32
    %lt3A = arith.constant 0 : i32
    %lt3A_24 = arith.cmpi slt, %rem3A_21, %lt3A : i32
    %lt3A_25 = arith.constant 0 : i32
    %lt3A_26 = arith.cmpi slt, %select_n3A_20, %lt3A_25 : i32
    %ne3A_27 = arith.xori %lt3A_24, %lt3A_26 : i1
    %and3A_28 = arith.andi %ne3A_27, %ne3A_23 : i1
    %add3A_29 = arith.addi %rem3A_21, %select_n3A_20 : i32
    %select_n3A_30 = arith.select %and3A_28, %add3A_29, %rem3A_21 : i32
    %mul3A_31 = arith.constant 256 : i32
    %mul3A_32 = arith.muli %select_n3A_30, %mul3A_31 : i32
    %add3A_33 = arith.constant 0 : i32
    %add3A_34 = arith.addi %mul3A_32, %add3A_33 : i32
    %dma_start3A = arith.constant 0 : i32
    %dma_start3A_35 = arith.constant 0 : i32
    %dma_start3A_36 = tpu.memref_slice %arg8[%dma_start3A, %dma_start3A_35] : memref<256x64xi32, #tpu.memory_space<vmem>> -> memref<64x64xi32, #tpu.memory_space<vmem>>
    %dma_start3A_37 = arith.constant 0 : i32
    %dma_start3A_38 = tpu.memref_slice %arg4[%add3A_34, %dma_start3A_37] : memref<2048x64xi32, #tpu.memory_space<hbm>> -> memref<64x64xi32, #tpu.memory_space<hbm>>
    %dma_start3A_39 = arith.constant 0 : i32
    %dma_start3A_40 = arith.constant 0 : i32
    %dma_start3A_41 = tpu.memref_slice %arg8[%dma_start3A_39, %dma_start3A_40] : memref<256x64xi32, #tpu.memory_space<vmem>> -> memref<64x64xi32, #tpu.memory_space<vmem>>
    %dma_start3A_42 = arith.constant 0 : i32
    %dma_start3A_43 = tpu.memref_slice %arg4[%add3A_34, %dma_start3A_42] : memref<2048x64xi32, #tpu.memory_space<hbm>> -> memref<64x64xi32, #tpu.memory_space<hbm>>
    tpu.enqueue_dma source(%dma_start3A_43 : memref<64x64xi32, #tpu.memory_space<hbm>>) target(%dma_start3A_41 : memref<64x64xi32, #tpu.memory_space<vmem>>) target_semaphore(%arg13 : memref<!tpu.dma_semaphore, #tpu.memory_space<semaphore_mem>>)
    %add3A_44 = arith.constant 64 : i32
    %add3A_45 = arith.addi %mul3A_32, %add3A_44 : i32
    %dma_start3A_46 = arith.constant 64 : i32
    %dma_start3A_47 = arith.constant 0 : i32
    %dma_start3A_48 = tpu.memref_slice %arg8[%dma_start3A_46, %dma_start3A_47] : memref<256x64xi32, #tpu.memory_space<vmem>> -> memref<64x64xi32, #tpu.memory_space<vmem>>
    %dma_start3A_49 = arith.constant 0 : i32
    %dma_start3A_50 = tpu.memref_slice %arg4[%add3A_45, %dma_start3A_49] : memref<2048x64xi32, #tpu.memory_space<hbm>> -> memref<64x64xi32, #tpu.memory_space<hbm>>
    %dma_start3A_51 = arith.constant 64 : i32
    %dma_start3A_52 = arith.constant 0 : i32
    %dma_start3A_53 = tpu.memref_slice %arg8[%dma_start3A_51, %dma_start3A_52] : memref<256x64xi32, #tpu.memory_space<vmem>> -> memref<64x64xi32, #tpu.memory_space<vmem>>
    %dma_start3A_54 = arith.constant 0 : i32
    %dma_start3A_55 = tpu.memref_slice %arg4[%add3A_45, %dma_start3A_54] : memref<2048x64xi32, #tpu.memory_space<hbm>> -> memref<64x64xi32, #tpu.memory_space<hbm>>
    tpu.enqueue_dma source(%dma_start3A_55 : memref<64x64xi32, #tpu.memory_space<hbm>>) target(%dma_start3A_53 : memref<64x64xi32, #tpu.memory_space<vmem>>) target_semaphore(%arg14 : memref<!tpu.dma_semaphore, #tpu.memory_space<semaphore_mem>>)
    %add3A_56 = arith.constant 128 : i32
    %add3A_57 = arith.addi %mul3A_32, %add3A_56 : i32
    %dma_start3A_58 = arith.constant 128 : i32
    %dma_start3A_59 = arith.constant 0 : i32
    %dma_start3A_60 = tpu.memref_slice %arg8[%dma_start3A_58, %dma_start3A_59] : memref<256x64xi32, #tpu.memory_space<vmem>> -> memref<64x64xi32, #tpu.memory_space<vmem>>
    %dma_start3A_61 = arith.constant 0 : i32
    %dma_start3A_62 = tpu.memref_slice %arg4[%add3A_57, %dma_start3A_61] : memref<2048x64xi32, #tpu.memory_space<hbm>> -> memref<64x64xi32, #tpu.memory_space<hbm>>
    %dma_start3A_63 = arith.constant 128 : i32
    %dma_start3A_64 = arith.constant 0 : i32
    %dma_start3A_65 = tpu.memref_slice %arg8[%dma_start3A_63, %dma_start3A_64] : memref<256x64xi32, #tpu.memory_space<vmem>> -> memref<64x64xi32, #tpu.memory_space<vmem>>
    %dma_start3A_66 = arith.constant 0 : i32
    %dma_start3A_67 = tpu.memref_slice %arg4[%add3A_57, %dma_start3A_66] : memref<2048x64xi32, #tpu.memory_space<hbm>> -> memref<64x64xi32, #tpu.memory_space<hbm>>
    tpu.enqueue_dma source(%dma_start3A_67 : memref<64x64xi32, #tpu.memory_space<hbm>>) target(%dma_start3A_65 : memref<64x64xi32, #tpu.memory_space<vmem>>) target_semaphore(%arg15 : memref<!tpu.dma_semaphore, #tpu.memory_space<semaphore_mem>>)
    %add3A_68 = arith.constant 192 : i32
    %add3A_69 = arith.addi %mul3A_32, %add3A_68 : i32
    %dma_start3A_70 = arith.constant 192 : i32
    %dma_start3A_71 = arith.constant 0 : i32
    %dma_start3A_72 = tpu.memref_slice %arg8[%dma_start3A_70, %dma_start3A_71] : memref<256x64xi32, #tpu.memory_space<vmem>> -> memref<64x64xi32, #tpu.memory_space<vmem>>
    %dma_start3A_73 = arith.constant 0 : i32
    %dma_start3A_74 = tpu.memref_slice %arg4[%add3A_69, %dma_start3A_73] : memref<2048x64xi32, #tpu.memory_space<hbm>> -> memref<64x64xi32, #tpu.memory_space<hbm>>
    %dma_start3A_75 = arith.constant 192 : i32
    %dma_start3A_76 = arith.constant 0 : i32
    %dma_start3A_77 = tpu.memref_slice %arg8[%dma_start3A_75, %dma_start3A_76] : memref<256x64xi32, #tpu.memory_space<vmem>> -> memref<64x64xi32, #tpu.memory_space<vmem>>
    %dma_start3A_78 = arith.constant 0 : i32
    %dma_start3A_79 = tpu.memref_slice %arg4[%add3A_69, %dma_start3A_78] : memref<2048x64xi32, #tpu.memory_space<hbm>> -> memref<64x64xi32, #tpu.memory_space<hbm>>
    tpu.enqueue_dma source(%dma_start3A_79 : memref<64x64xi32, #tpu.memory_space<hbm>>) target(%dma_start3A_77 : memref<64x64xi32, #tpu.memory_space<vmem>>) target_semaphore(%arg16 : memref<!tpu.dma_semaphore, #tpu.memory_space<semaphore_mem>>)
    "tpu.region"() ({
      %run_scoped3A = tpu.sem_alloc : memref<!tpu.dma_semaphore, #tpu.memory_space<semaphore_mem>>
      %dma_start3A_318 = tpu.memref_slice %arg2[%select_n3A, %mul3A_32] : memref<4x2048xi32, #tpu.memory_space<hbm>> -> memref<1x256xi32, #tpu.memory_space<hbm>>
      %dma_start3A_319 = tpu.memref_squeeze %dma_start3A_318 : memref<1x256xi32, #tpu.memory_space<hbm>> -> memref<256xi32, #tpu.memory_space<hbm>>
      %dma_start3A_320 = tpu.memref_slice %arg2[%select_n3A, %mul3A_32] : memref<4x2048xi32, #tpu.memory_space<hbm>> -> memref<1x256xi32, #tpu.memory_space<hbm>>
      %dma_start3A_321 = tpu.memref_squeeze %dma_start3A_320 : memref<1x256xi32, #tpu.memory_space<hbm>> -> memref<256xi32, #tpu.memory_space<hbm>>
      tpu.enqueue_dma source(%dma_start3A_321 : memref<256xi32, #tpu.memory_space<hbm>>) target(%arg6 : memref<256xi32, #tpu.memory_space<vmem>>) target_semaphore(%run_scoped3A : memref<!tpu.dma_semaphore, #tpu.memory_space<semaphore_mem>>)
      %dma_wait3A_322 = tpu.memref_slice %arg2[%select_n3A, %mul3A_32] : memref<4x2048xi32, #tpu.memory_space<hbm>> -> memref<1x256xi32, #tpu.memory_space<hbm>>
      %dma_wait3A_323 = tpu.memref_squeeze %dma_wait3A_322 : memref<1x256xi32, #tpu.memory_space<hbm>> -> memref<256xi32, #tpu.memory_space<hbm>>
      %dma_wait3A_324 = tpu.memref_slice %arg2[%select_n3A, %mul3A_32] : memref<4x2048xi32, #tpu.memory_space<hbm>> -> memref<1x256xi32, #tpu.memory_space<hbm>>
      %dma_wait3A_325 = tpu.memref_squeeze %dma_wait3A_324 : memref<1x256xi32, #tpu.memory_space<hbm>> -> memref<256xi32, #tpu.memory_space<hbm>>
      tpu.wait_dma2 semaphore(%run_scoped3A : memref<!tpu.dma_semaphore, #tpu.memory_space<semaphore_mem>>) src(%dma_wait3A_325 : memref<256xi32, #tpu.memory_space<hbm>>) dst(%arg6 : memref<256xi32, #tpu.memory_space<vmem>>)
      tpu.yield
    }) : () -> ()
    %dma_start3A_80 = arith.constant 0 : i32
    %dma_start3A_81 = arith.constant 0 : i32
    %dma_start3A_82 = tpu.memref_slice %arg7[%dma_start3A_80, %dma_start3A_81] : memref<256x128xf32, #tpu.memory_space<vmem>> -> memref<64x128xf32, #tpu.memory_space<vmem>>
    %dma_start3A_83 = arith.constant 0 : i32
    %dma_start3A_84 = tpu.memref_slice %arg6[%dma_start3A_83] : memref<256xi32, #tpu.memory_space<vmem>> -> memref<64xi32, #tpu.memory_space<vmem>>
    %dma_start3A_85 = arith.constant 0 : i32
    %dma_start3A_86 = arith.constant 0 : i32
    %dma_start3A_87 = tpu.memref_slice %arg3[%dma_start3A_85, %dma_start3A_86] : memref<100000x128xf32, #tpu.memory_space<hbm>> -> memref<100000x128xf32, #tpu.memory_space<hbm>>
    tpu.enqueue_indirect_dma source(%dma_start3A_87 : memref<100000x128xf32, #tpu.memory_space<hbm>>) target(%dma_start3A_82 : memref<64x128xf32, #tpu.memory_space<vmem>>) offsets(%dma_start3A_84 : memref<64xi32, #tpu.memory_space<vmem>>) semaphore(%arg9 : memref<!tpu.dma_semaphore, #tpu.memory_space<semaphore_mem>>)
    %dma_start3A_88 = arith.constant 64 : i32
    %dma_start3A_89 = arith.constant 0 : i32
    %dma_start3A_90 = tpu.memref_slice %arg7[%dma_start3A_88, %dma_start3A_89] : memref<256x128xf32, #tpu.memory_space<vmem>> -> memref<64x128xf32, #tpu.memory_space<vmem>>
    %dma_start3A_91 = arith.constant 64 : i32
    %dma_start3A_92 = tpu.memref_slice %arg6[%dma_start3A_91] : memref<256xi32, #tpu.memory_space<vmem>> -> memref<64xi32, #tpu.memory_space<vmem>>
    %dma_start3A_93 = arith.constant 0 : i32
    %dma_start3A_94 = arith.constant 0 : i32
    %dma_start3A_95 = tpu.memref_slice %arg3[%dma_start3A_93, %dma_start3A_94] : memref<100000x128xf32, #tpu.memory_space<hbm>> -> memref<100000x128xf32, #tpu.memory_space<hbm>>
    tpu.enqueue_indirect_dma source(%dma_start3A_95 : memref<100000x128xf32, #tpu.memory_space<hbm>>) target(%dma_start3A_90 : memref<64x128xf32, #tpu.memory_space<vmem>>) offsets(%dma_start3A_92 : memref<64xi32, #tpu.memory_space<vmem>>) semaphore(%arg10 : memref<!tpu.dma_semaphore, #tpu.memory_space<semaphore_mem>>)
    %dma_start3A_96 = arith.constant 128 : i32
    %dma_start3A_97 = arith.constant 0 : i32
    %dma_start3A_98 = tpu.memref_slice %arg7[%dma_start3A_96, %dma_start3A_97] : memref<256x128xf32, #tpu.memory_space<vmem>> -> memref<64x128xf32, #tpu.memory_space<vmem>>
    %dma_start3A_99 = arith.constant 128 : i32
    %dma_start3A_100 = tpu.memref_slice %arg6[%dma_start3A_99] : memref<256xi32, #tpu.memory_space<vmem>> -> memref<64xi32, #tpu.memory_space<vmem>>
    %dma_start3A_101 = arith.constant 0 : i32
    %dma_start3A_102 = arith.constant 0 : i32
    %dma_start3A_103 = tpu.memref_slice %arg3[%dma_start3A_101, %dma_start3A_102] : memref<100000x128xf32, #tpu.memory_space<hbm>> -> memref<100000x128xf32, #tpu.memory_space<hbm>>
    tpu.enqueue_indirect_dma source(%dma_start3A_103 : memref<100000x128xf32, #tpu.memory_space<hbm>>) target(%dma_start3A_98 : memref<64x128xf32, #tpu.memory_space<vmem>>) offsets(%dma_start3A_100 : memref<64xi32, #tpu.memory_space<vmem>>) semaphore(%arg11 : memref<!tpu.dma_semaphore, #tpu.memory_space<semaphore_mem>>)
    %dma_start3A_104 = arith.constant 192 : i32
    %dma_start3A_105 = arith.constant 0 : i32
    %dma_start3A_106 = tpu.memref_slice %arg7[%dma_start3A_104, %dma_start3A_105] : memref<256x128xf32, #tpu.memory_space<vmem>> -> memref<64x128xf32, #tpu.memory_space<vmem>>
    %dma_start3A_107 = arith.constant 192 : i32
    %dma_start3A_108 = tpu.memref_slice %arg6[%dma_start3A_107] : memref<256xi32, #tpu.memory_space<vmem>> -> memref<64xi32, #tpu.memory_space<vmem>>
    %dma_start3A_109 = arith.constant 0 : i32
    %dma_start3A_110 = arith.constant 0 : i32
    %dma_start3A_111 = tpu.memref_slice %arg3[%dma_start3A_109, %dma_start3A_110] : memref<100000x128xf32, #tpu.memory_space<hbm>> -> memref<100000x128xf32, #tpu.memory_space<hbm>>
    tpu.enqueue_indirect_dma source(%dma_start3A_111 : memref<100000x128xf32, #tpu.memory_space<hbm>>) target(%dma_start3A_106 : memref<64x128xf32, #tpu.memory_space<vmem>>) offsets(%dma_start3A_108 : memref<64xi32, #tpu.memory_space<vmem>>) semaphore(%arg12 : memref<!tpu.dma_semaphore, #tpu.memory_space<semaphore_mem>>)
    %dma_wait3A = arith.constant 0 : i32
    %dma_wait3A_112 = arith.constant 0 : i32
    %dma_wait3A_113 = tpu.memref_slice %arg7[%dma_wait3A, %dma_wait3A_112] : memref<256x128xf32, #tpu.memory_space<vmem>> -> memref<64x128xf32, #tpu.memory_space<vmem>>
    %dma_wait3A_114 = arith.constant 0 : i32
    %dma_wait3A_115 = tpu.memref_slice %arg6[%dma_wait3A_114] : memref<256xi32, #tpu.memory_space<vmem>> -> memref<64xi32, #tpu.memory_space<vmem>>
    %dma_wait3A_116 = arith.constant 0 : i32
    %dma_wait3A_117 = arith.constant 0 : i32
    %dma_wait3A_118 = tpu.memref_slice %arg3[%dma_wait3A_116, %dma_wait3A_117] : memref<100000x128xf32, #tpu.memory_space<hbm>> -> memref<100000x128xf32, #tpu.memory_space<hbm>>
    tpu.wait_indirect_dma semaphore(%arg9 : memref<!tpu.dma_semaphore, #tpu.memory_space<semaphore_mem>>) src(%dma_wait3A_118 : memref<100000x128xf32, #tpu.memory_space<hbm>>) dst(%dma_wait3A_113 : memref<64x128xf32, #tpu.memory_space<vmem>>)
    %dma_wait3A_119 = arith.constant 0 : i32
    %dma_wait3A_120 = arith.constant 0 : i32
    %dma_wait3A_121 = tpu.memref_slice %arg8[%dma_wait3A_119, %dma_wait3A_120] : memref<256x64xi32, #tpu.memory_space<vmem>> -> memref<64x64xi32, #tpu.memory_space<vmem>>
    %dma_wait3A_122 = arith.constant 0 : i32
    %dma_wait3A_123 = tpu.memref_slice %arg4[%add3A_34, %dma_wait3A_122] : memref<2048x64xi32, #tpu.memory_space<hbm>> -> memref<64x64xi32, #tpu.memory_space<hbm>>
    %dma_wait3A_124 = arith.constant 0 : i32
    %dma_wait3A_125 = arith.constant 0 : i32
    %dma_wait3A_126 = tpu.memref_slice %arg8[%dma_wait3A_124, %dma_wait3A_125] : memref<256x64xi32, #tpu.memory_space<vmem>> -> memref<64x64xi32, #tpu.memory_space<vmem>>
    %dma_wait3A_127 = arith.constant 0 : i32
    %dma_wait3A_128 = tpu.memref_slice %arg4[%add3A_34, %dma_wait3A_127] : memref<2048x64xi32, #tpu.memory_space<hbm>> -> memref<64x64xi32, #tpu.memory_space<hbm>>
    tpu.wait_dma2 semaphore(%arg13 : memref<!tpu.dma_semaphore, #tpu.memory_space<semaphore_mem>>) src(%dma_wait3A_128 : memref<64x64xi32, #tpu.memory_space<hbm>>) dst(%dma_wait3A_126 : memref<64x64xi32, #tpu.memory_space<vmem>>)
    %scan3A = arith.constant -65536 : i32
    %scan3A_129 = arith.constant 0 : i32
    %scan3A_130 = arith.constant 0 : i32
    %scan3A_131 = arith.constant 64 : i32
    %scan3A_132 = arith.addi %scan3A_130, %scan3A_131 : i32
    %scan3A_133 = arith.constant 1 : i32
    %scan3A_134 = scf.for %scan3A_318 = %scan3A_130 to %scan3A_132 step %scan3A_133 iter_args(%scan3A_319 = %scan3A_129) -> (i32)  : i32 {
      %add3A_320 = arith.constant 0 : i32
      %add3A_321 = arith.addi %add3A_320, %scan3A_318 : i32
      %get3A = arith.index_cast %add3A_321 : i32 to index
      %get3A_322 = arith.constant 0 : index
      %get3A_323 = tpu.vector_load %arg8[%get3A, %get3A_322] {strides = array<i32>} : memref<256x64xi32, #tpu.memory_space<vmem>>, vector<1x16xi32>,
      %get3A_324 = vector.shape_cast %get3A_323 : vector<1x16xi32> to vector<16xi32>
      %shift_left3A = arith.constant 16 : i32
      %shift_left3A_325 = vector.broadcast %shift_left3A : i32 to vector<16xi32>
      %shift_left3A_326 = arith.shli %get3A_324, %shift_left3A_325 : vector<16xi32>
      %bitcast_convert_type3A = tpu.bitcast %shift_left3A_326 : vector<16xi32> -> vector<16xf32>
      %and3A_327 = vector.broadcast %scan3A : i32 to vector<16xi32>
      %and3A_328 = arith.andi %get3A_324, %and3A_327 : vector<16xi32>
      %bitcast_convert_type3A_329 = tpu.bitcast %and3A_328 : vector<16xi32> -> vector<16xf32>
      %add3A_330 = arith.constant 0 : i32
      %add3A_331 = arith.addi %add3A_330, %scan3A_318 : i32
      %get3A_332 = arith.index_cast %add3A_331 : i32 to index
      %get3A_333 = arith.constant 0 : index
      %get3A_334 = tpu.vector_load %arg7[%get3A_332, %get3A_333] {strides = array<i32>} : memref<256x128xf32, #tpu.memory_space<vmem>>, vector<1x16xf32>,
      %get3A_335 = vector.shape_cast %get3A_334 : vector<1x16xf32> to vector<16xf32>
      %mul3A_336 = arith.constant 11.3137083 : f32
      %mul3A_337 = vector.broadcast %mul3A_336 : f32 to vector<16xf32>
      %mul3A_338 = arith.mulf %get3A_335, %mul3A_337 : vector<16xf32>
      %add3A_339 = arith.addf %mul3A_338, %bitcast_convert_type3A : vector<16xf32>
      %add3A_340 = arith.constant 0 : i32
      %add3A_341 = arith.addi %add3A_340, %scan3A_318 : i32
      %swap3A = arith.index_cast %add3A_341 : i32 to index
      %swap3A_342 = arith.constant 0 : index
      %swap3A_343 = tpu.vector_load %arg7[%swap3A, %swap3A_342] {strides = array<i32>} : memref<256x128xf32, #tpu.memory_space<vmem>>, vector<1x16xf32>,
      %swap3A_344 = vector.shape_cast %swap3A_343 : vector<1x16xf32> to vector<16xf32>
      %swap3A_345 = vector.shape_cast %add3A_339 : vector<16xf32> to vector<1x16xf32>
      tpu.vector_store %arg7[%swap3A, %swap3A_342], %swap3A_345 {strides = array<i32>} : memref<256x128xf32, #tpu.memory_space<vmem>>, vector<1x16xf32>,
      %add3A_346 = arith.constant 0 : i32
      %add3A_347 = arith.addi %add3A_346, %scan3A_318 : i32
      %get3A_348 = arith.index_cast %add3A_347 : i32 to index
      %get3A_349 = arith.constant 16 : index
      %get3A_350 = tpu.vector_load %arg7[%get3A_348, %get3A_349] {strides = array<i32>} : memref<256x128xf32, #tpu.memory_space<vmem>>, vector<1x16xf32>,
      %get3A_351 = vector.shape_cast %get3A_350 : vector<1x16xf32> to vector<16xf32>
      %mul3A_352 = arith.constant 11.3137083 : f32
      %mul3A_353 = vector.broadcast %mul3A_352 : f32 to vector<16xf32>
      %mul3A_354 = arith.mulf %get3A_351, %mul3A_353 : vector<16xf32>
      %add3A_355 = arith.addf %mul3A_354, %bitcast_convert_type3A_329 : vector<16xf32>
      %add3A_356 = arith.constant 0 : i32
      %add3A_357 = arith.addi %add3A_356, %scan3A_318 : i32
      %swap3A_358 = arith.index_cast %add3A_357 : i32 to index
      %swap3A_359 = arith.constant 16 : index
      %swap3A_360 = tpu.vector_load %arg7[%swap3A_358, %swap3A_359] {strides = array<i32>} : memref<256x128xf32, #tpu.memory_space<vmem>>, vector<1x16xf32>,
      %swap3A_361 = vector.shape_cast %swap3A_360 : vector<1x16xf32> to vector<16xf32>
      %swap3A_362 = vector.shape_cast %add3A_355 : vector<16xf32> to vector<1x16xf32>
      tpu.vector_store %arg7[%swap3A_358, %swap3A_359], %swap3A_362 {strides = array<i32>} : memref<256x128xf32, #tpu.memory_space<vmem>>, vector<1x16xf32>,
      %add3A_363 = arith.constant 0 : i32
      %add3A_364 = arith.addi %add3A_363, %scan3A_318 : i32
      %get3A_365 = arith.index_cast %add3A_364 : i32 to index
      %get3A_366 = arith.constant 16 : index
      %get3A_367 = tpu.vector_load %arg8[%get3A_365, %get3A_366] {strides = array<i32>} : memref<256x64xi32, #tpu.memory_space<vmem>>, vector<1x16xi32>,
      %get3A_368 = vector.shape_cast %get3A_367 : vector<1x16xi32> to vector<16xi32>
      %shift_left3A_369 = arith.constant 16 : i32
      %shift_left3A_370 = vector.broadcast %shift_left3A_369 : i32 to vector<16xi32>
      %shift_left3A_371 = arith.shli %get3A_368, %shift_left3A_370 : vector<16xi32>
      %bitcast_convert_type3A_372 = tpu.bitcast %shift_left3A_371 : vector<16xi32> -> vector<16xf32>
      %and3A_373 = vector.broadcast %scan3A : i32 to vector<16xi32>
      %and3A_374 = arith.andi %get3A_368, %and3A_373 : vector<16xi32>
      %bitcast_convert_type3A_375 = tpu.bitcast %and3A_374 : vector<16xi32> -> vector<16xf32>
      %add3A_376 = arith.constant 0 : i32
      %add3A_377 = arith.addi %add3A_376, %scan3A_318 : i32
      %get3A_378 = arith.index_cast %add3A_377 : i32 to index
      %get3A_379 = arith.constant 32 : index
      %get3A_380 = tpu.vector_load %arg7[%get3A_378, %get3A_379] {strides = array<i32>} : memref<256x128xf32, #tpu.memory_space<vmem>>, vector<1x16xf32>,
      %get3A_381 = vector.shape_cast %get3A_380 : vector<1x16xf32> to vector<16xf32>
      %mul3A_382 = arith.constant 11.3137083 : f32
      %mul3A_383 = vector.broadcast %mul3A_382 : f32 to vector<16xf32>
      %mul3A_384 = arith.mulf %get3A_381, %mul3A_383 : vector<16xf32>
      %add3A_385 = arith.addf %mul3A_384, %bitcast_convert_type3A_372 : vector<16xf32>
      %add3A_386 = arith.constant 0 : i32
      %add3A_387 = arith.addi %add3A_386, %scan3A_318 : i32
      %swap3A_388 = arith.index_cast %add3A_387 : i32 to index
      %swap3A_389 = arith.constant 32 : index
      %swap3A_390 = tpu.vector_load %arg7[%swap3A_388, %swap3A_389] {strides = array<i32>} : memref<256x128xf32, #tpu.memory_space<vmem>>, vector<1x16xf32>,
      %swap3A_391 = vector.shape_cast %swap3A_390 : vector<1x16xf32> to vector<16xf32>
      %swap3A_392 = vector.shape_cast %add3A_385 : vector<16xf32> to vector<1x16xf32>
      tpu.vector_store %arg7[%swap3A_388, %swap3A_389], %swap3A_392 {strides = array<i32>} : memref<256x128xf32, #tpu.memory_space<vmem>>, vector<1x16xf32>,
      %add3A_393 = arith.constant 0 : i32
      %add3A_394 = arith.addi %add3A_393, %scan3A_318 : i32
      %get3A_395 = arith.index_cast %add3A_394 : i32 to index
      %get3A_396 = arith.constant 48 : index
      %get3A_397 = tpu.vector_load %arg7[%get3A_395, %get3A_396] {strides = array<i32>} : memref<256x128xf32, #tpu.memory_space<vmem>>, vector<1x16xf32>,
      %get3A_398 = vector.shape_cast %get3A_397 : vector<1x16xf32> to vector<16xf32>
      %mul3A_399 = arith.constant 11.3137083 : f32
      %mul3A_400 = vector.broadcast %mul3A_399 : f32 to vector<16xf32>
      %mul3A_401 = arith.mulf %get3A_398, %mul3A_400 : vector<16xf32>
      %add3A_402 = arith.addf %mul3A_401, %bitcast_convert_type3A_375 : vector<16xf32>
      %add3A_403 = arith.constant 0 : i32
      %add3A_404 = arith.addi %add3A_403, %scan3A_318 : i32
      %swap3A_405 = arith.index_cast %add3A_404 : i32 to index
      %swap3A_406 = arith.constant 48 : index
      %swap3A_407 = tpu.vector_load %arg7[%swap3A_405, %swap3A_406] {strides = array<i32>} : memref<256x128xf32, #tpu.memory_space<vmem>>, vector<1x16xf32>,
      %swap3A_408 = vector.shape_cast %swap3A_407 : vector<1x16xf32> to vector<16xf32>
      %swap3A_409 = vector.shape_cast %add3A_402 : vector<16xf32> to vector<1x16xf32>
      tpu.vector_store %arg7[%swap3A_405, %swap3A_406], %swap3A_409 {strides = array<i32>} : memref<256x128xf32, #tpu.memory_space<vmem>>, vector<1x16xf32>,
      %add3A_410 = arith.constant 0 : i32
      %add3A_411 = arith.addi %add3A_410, %scan3A_318 : i32
      %get3A_412 = arith.index_cast %add3A_411 : i32 to index
      %get3A_413 = arith.constant 32 : index
      %get3A_414 = tpu.vector_load %arg8[%get3A_412, %get3A_413] {strides = array<i32>} : memref<256x64xi32, #tpu.memory_space<vmem>>, vector<1x16xi32>,
      %get3A_415 = vector.shape_cast %get3A_414 : vector<1x16xi32> to vector<16xi32>
      %shift_left3A_416 = arith.constant 16 : i32
      %shift_left3A_417 = vector.broadcast %shift_left3A_416 : i32 to vector<16xi32>
      %shift_left3A_418 = arith.shli %get3A_415, %shift_left3A_417 : vector<16xi32>
      %bitcast_convert_type3A_419 = tpu.bitcast %shift_left3A_418 : vector<16xi32> -> vector<16xf32>
      %and3A_420 = vector.broadcast %scan3A : i32 to vector<16xi32>
      %and3A_421 = arith.andi %get3A_415, %and3A_420 : vector<16xi32>
      %bitcast_convert_type3A_422 = tpu.bitcast %and3A_421 : vector<16xi32> -> vector<16xf32>
      %add3A_423 = arith.constant 0 : i32
      %add3A_424 = arith.addi %add3A_423, %scan3A_318 : i32
      %get3A_425 = arith.index_cast %add3A_424 : i32 to index
      %get3A_426 = arith.constant 64 : index
      %get3A_427 = tpu.vector_load %arg7[%get3A_425, %get3A_426] {strides = array<i32>} : memref<256x128xf32, #tpu.memory_space<vmem>>, vector<1x16xf32>,
      %get3A_428 = vector.shape_cast %get3A_427 : vector<1x16xf32> to vector<16xf32>
      %mul3A_429 = arith.constant 11.3137083 : f32
      %mul3A_430 = vector.broadcast %mul3A_429 : f32 to vector<16xf32>
      %mul3A_431 = arith.mulf %get3A_428, %mul3A_430 : vector<16xf32>
      %add3A_432 = arith.addf %mul3A_431, %bitcast_convert_type3A_419 : vector<16xf32>
      %add3A_433 = arith.constant 0 : i32
      %add3A_434 = arith.addi %add3A_433, %scan3A_318 : i32
      %swap3A_435 = arith.index_cast %add3A_434 : i32 to index
      %swap3A_436 = arith.constant 64 : index
      %swap3A_437 = tpu.vector_load %arg7[%swap3A_435, %swap3A_436] {strides = array<i32>} : memref<256x128xf32, #tpu.memory_space<vmem>>, vector<1x16xf32>,
      %swap3A_438 = vector.shape_cast %swap3A_437 : vector<1x16xf32> to vector<16xf32>
      %swap3A_439 = vector.shape_cast %add3A_432 : vector<16xf32> to vector<1x16xf32>
      tpu.vector_store %arg7[%swap3A_435, %swap3A_436], %swap3A_439 {strides = array<i32>} : memref<256x128xf32, #tpu.memory_space<vmem>>, vector<1x16xf32>,
      %add3A_440 = arith.constant 0 : i32
      %add3A_441 = arith.addi %add3A_440, %scan3A_318 : i32
      %get3A_442 = arith.index_cast %add3A_441 : i32 to index
      %get3A_443 = arith.constant 80 : index
      %get3A_444 = tpu.vector_load %arg7[%get3A_442, %get3A_443] {strides = array<i32>} : memref<256x128xf32, #tpu.memory_space<vmem>>, vector<1x16xf32>,
      %get3A_445 = vector.shape_cast %get3A_444 : vector<1x16xf32> to vector<16xf32>
      %mul3A_446 = arith.constant 11.3137083 : f32
      %mul3A_447 = vector.broadcast %mul3A_446 : f32 to vector<16xf32>
      %mul3A_448 = arith.mulf %get3A_445, %mul3A_447 : vector<16xf32>
      %add3A_449 = arith.addf %mul3A_448, %bitcast_convert_type3A_422 : vector<16xf32>
      %add3A_450 = arith.constant 0 : i32
      %add3A_451 = arith.addi %add3A_450, %scan3A_318 : i32
      %swap3A_452 = arith.index_cast %add3A_451 : i32 to index
      %swap3A_453 = arith.constant 80 : index
      %swap3A_454 = tpu.vector_load %arg7[%swap3A_452, %swap3A_453] {strides = array<i32>} : memref<256x128xf32, #tpu.memory_space<vmem>>, vector<1x16xf32>,
      %swap3A_455 = vector.shape_cast %swap3A_454 : vector<1x16xf32> to vector<16xf32>
      %swap3A_456 = vector.shape_cast %add3A_449 : vector<16xf32> to vector<1x16xf32>
      tpu.vector_store %arg7[%swap3A_452, %swap3A_453], %swap3A_456 {strides = array<i32>} : memref<256x128xf32, #tpu.memory_space<vmem>>, vector<1x16xf32>,
      %add3A_457 = arith.constant 0 : i32
      %add3A_458 = arith.addi %add3A_457, %scan3A_318 : i32
      %get3A_459 = arith.index_cast %add3A_458 : i32 to index
      %get3A_460 = arith.constant 48 : index
      %get3A_461 = tpu.vector_load %arg8[%get3A_459, %get3A_460] {strides = array<i32>} : memref<256x64xi32, #tpu.memory_space<vmem>>, vector<1x16xi32>,
      %get3A_462 = vector.shape_cast %get3A_461 : vector<1x16xi32> to vector<16xi32>
      %shift_left3A_463 = arith.constant 16 : i32
      %shift_left3A_464 = vector.broadcast %shift_left3A_463 : i32 to vector<16xi32>
      %shift_left3A_465 = arith.shli %get3A_462, %shift_left3A_464 : vector<16xi32>
      %bitcast_convert_type3A_466 = tpu.bitcast %shift_left3A_465 : vector<16xi32> -> vector<16xf32>
      %and3A_467 = vector.broadcast %scan3A : i32 to vector<16xi32>
      %and3A_468 = arith.andi %get3A_462, %and3A_467 : vector<16xi32>
      %bitcast_convert_type3A_469 = tpu.bitcast %and3A_468 : vector<16xi32> -> vector<16xf32>
      %add3A_470 = arith.constant 0 : i32
      %add3A_471 = arith.addi %add3A_470, %scan3A_318 : i32
      %get3A_472 = arith.index_cast %add3A_471 : i32 to index
      %get3A_473 = arith.constant 96 : index
      %get3A_474 = tpu.vector_load %arg7[%get3A_472, %get3A_473] {strides = array<i32>} : memref<256x128xf32, #tpu.memory_space<vmem>>, vector<1x16xf32>,
      %get3A_475 = vector.shape_cast %get3A_474 : vector<1x16xf32> to vector<16xf32>
      %mul3A_476 = arith.constant 11.3137083 : f32
      %mul3A_477 = vector.broadcast %mul3A_476 : f32 to vector<16xf32>
      %mul3A_478 = arith.mulf %get3A_475, %mul3A_477 : vector<16xf32>
      %add3A_479 = arith.addf %mul3A_478, %bitcast_convert_type3A_466 : vector<16xf32>
      %add3A_480 = arith.constant 0 : i32
      %add3A_481 = arith.addi %add3A_480, %scan3A_318 : i32
      %swap3A_482 = arith.index_cast %add3A_481 : i32 to index
      %swap3A_483 = arith.constant 96 : index
      %swap3A_484 = tpu.vector_load %arg7[%swap3A_482, %swap3A_483] {strides = array<i32>} : memref<256x128xf32, #tpu.memory_space<vmem>>, vector<1x16xf32>,
      %swap3A_485 = vector.shape_cast %swap3A_484 : vector<1x16xf32> to vector<16xf32>
      %swap3A_486 = vector.shape_cast %add3A_479 : vector<16xf32> to vector<1x16xf32>
      tpu.vector_store %arg7[%swap3A_482, %swap3A_483], %swap3A_486 {strides = array<i32>} : memref<256x128xf32, #tpu.memory_space<vmem>>, vector<1x16xf32>,
      %add3A_487 = arith.constant 0 : i32
      %add3A_488 = arith.addi %add3A_487, %scan3A_318 : i32
      %get3A_489 = arith.index_cast %add3A_488 : i32 to index
      %get3A_490 = arith.constant 112 : index
      %get3A_491 = tpu.vector_load %arg7[%get3A_489, %get3A_490] {strides = array<i32>} : memref<256x128xf32, #tpu.memory_space<vmem>>, vector<1x16xf32>,
      %get3A_492 = vector.shape_cast %get3A_491 : vector<1x16xf32> to vector<16xf32>
      %mul3A_493 = arith.constant 11.3137083 : f32
      %mul3A_494 = vector.broadcast %mul3A_493 : f32 to vector<16xf32>
      %mul3A_495 = arith.mulf %get3A_492, %mul3A_494 : vector<16xf32>
      %add3A_496 = arith.addf %mul3A_495, %bitcast_convert_type3A_469 : vector<16xf32>
      %add3A_497 = arith.constant 0 : i32
      %add3A_498 = arith.addi %add3A_497, %scan3A_318 : i32
      %swap3A_499 = arith.index_cast %add3A_498 : i32 to index
      %swap3A_500 = arith.constant 112 : index
      %swap3A_501 = tpu.vector_load %arg7[%swap3A_499, %swap3A_500] {strides = array<i32>} : memref<256x128xf32, #tpu.memory_space<vmem>>, vector<1x16xf32>,
      %swap3A_502 = vector.shape_cast %swap3A_501 : vector<1x16xf32> to vector<16xf32>
      %swap3A_503 = vector.shape_cast %add3A_496 : vector<16xf32> to vector<1x16xf32>
      tpu.vector_store %arg7[%swap3A_499, %swap3A_500], %swap3A_503 {strides = array<i32>} : memref<256x128xf32, #tpu.memory_space<vmem>>, vector<1x16xf32>,
      %scan3A_504 = arith.constant 0 : i32
      scf.yield %scan3A_504 : i32
    }
    %scan3A_135 = arith.constant 64 : i32
    %add3A_136 = arith.constant 0 : i32
    %add3A_137 = arith.addi %mul3A_32, %add3A_136 : i32
    %dma_start3A_138 = arith.constant 0 : i32
    %dma_start3A_139 = arith.constant 0 : i32
    %dma_start3A_140 = tpu.memref_slice %arg7[%dma_start3A_138, %dma_start3A_139] : memref<256x128xf32, #tpu.memory_space<vmem>> -> memref<64x128xf32, #tpu.memory_space<vmem>>
    %dma_start3A_141 = arith.constant 0 : i32
    %dma_start3A_142 = tpu.memref_slice %arg5[%select_n3A, %add3A_137, %dma_start3A_141] : memref<4x2048x128xf32, #tpu.memory_space<hbm>> -> memref<1x64x128xf32, #tpu.memory_space<hbm>>
    %dma_start3A_143 = tpu.memref_squeeze %dma_start3A_142 : memref<1x64x128xf32, #tpu.memory_space<hbm>> -> memref<64x128xf32, #tpu.memory_space<hbm>>
    %dma_start3A_144 = arith.constant 0 : i32
    %dma_start3A_145 = tpu.memref_slice %arg5[%select_n3A, %add3A_137, %dma_start3A_144] : memref<4x2048x128xf32, #tpu.memory_space<hbm>> -> memref<1x64x128xf32, #tpu.memory_space<hbm>>
    %dma_start3A_146 = tpu.memref_squeeze %dma_start3A_145 : memref<1x64x128xf32, #tpu.memory_space<hbm>> -> memref<64x128xf32, #tpu.memory_space<hbm>>
    %dma_start3A_147 = arith.constant 0 : i32
    %dma_start3A_148 = arith.constant 0 : i32
    %dma_start3A_149 = tpu.memref_slice %arg7[%dma_start3A_147, %dma_start3A_148] : memref<256x128xf32, #tpu.memory_space<vmem>> -> memref<64x128xf32, #tpu.memory_space<vmem>>
    tpu.enqueue_dma source(%dma_start3A_149 : memref<64x128xf32, #tpu.memory_space<vmem>>) target(%dma_start3A_146 : memref<64x128xf32, #tpu.memory_space<hbm>>) target_semaphore(%arg17 : memref<!tpu.dma_semaphore, #tpu.memory_space<semaphore_mem>>)
    %dma_wait3A_150 = arith.constant 64 : i32
    %dma_wait3A_151 = arith.constant 0 : i32
    %dma_wait3A_152 = tpu.memref_slice %arg7[%dma_wait3A_150, %dma_wait3A_151] : memref<256x128xf32, #tpu.memory_space<vmem>> -> memref<64x128xf32, #tpu.memory_space<vmem>>
    %dma_wait3A_153 = arith.constant 64 : i32
    %dma_wait3A_154 = tpu.memref_slice %arg6[%dma_wait3A_153] : memref<256xi32, #tpu.memory_space<vmem>> -> memref<64xi32, #tpu.memory_space<vmem>>
    %dma_wait3A_155 = arith.constant 0 : i32
    %dma_wait3A_156 = arith.constant 0 : i32
    %dma_wait3A_157 = tpu.memref_slice %arg3[%dma_wait3A_155, %dma_wait3A_156] : memref<100000x128xf32, #tpu.memory_space<hbm>> -> memref<100000x128xf32, #tpu.memory_space<hbm>>
    tpu.wait_indirect_dma semaphore(%arg10 : memref<!tpu.dma_semaphore, #tpu.memory_space<semaphore_mem>>) src(%dma_wait3A_157 : memref<100000x128xf32, #tpu.memory_space<hbm>>) dst(%dma_wait3A_152 : memref<64x128xf32, #tpu.memory_space<vmem>>)
    %dma_wait3A_158 = arith.constant 64 : i32
    %dma_wait3A_159 = arith.constant 0 : i32
    %dma_wait3A_160 = tpu.memref_slice %arg8[%dma_wait3A_158, %dma_wait3A_159] : memref<256x64xi32, #tpu.memory_space<vmem>> -> memref<64x64xi32, #tpu.memory_space<vmem>>
    %dma_wait3A_161 = arith.constant 0 : i32
    %dma_wait3A_162 = tpu.memref_slice %arg4[%add3A_45, %dma_wait3A_161] : memref<2048x64xi32, #tpu.memory_space<hbm>> -> memref<64x64xi32, #tpu.memory_space<hbm>>
    %dma_wait3A_163 = arith.constant 64 : i32
    %dma_wait3A_164 = arith.constant 0 : i32
    %dma_wait3A_165 = tpu.memref_slice %arg8[%dma_wait3A_163, %dma_wait3A_164] : memref<256x64xi32, #tpu.memory_space<vmem>> -> memref<64x64xi32, #tpu.memory_space<vmem>>
    %dma_wait3A_166 = arith.constant 0 : i32
    %dma_wait3A_167 = tpu.memref_slice %arg4[%add3A_45, %dma_wait3A_166] : memref<2048x64xi32, #tpu.memory_space<hbm>> -> memref<64x64xi32, #tpu.memory_space<hbm>>
    tpu.wait_dma2 semaphore(%arg14 : memref<!tpu.dma_semaphore, #tpu.memory_space<semaphore_mem>>) src(%dma_wait3A_167 : memref<64x64xi32, #tpu.memory_space<hbm>>) dst(%dma_wait3A_165 : memref<64x64xi32, #tpu.memory_space<vmem>>)
    %scan3A_168 = arith.constant -65536 : i32
    %scan3A_169 = arith.constant 0 : i32
    %scan3A_170 = arith.constant 0 : i32
    %scan3A_171 = arith.constant 64 : i32
    %scan3A_172 = arith.addi %scan3A_170, %scan3A_171 : i32
    %scan3A_173 = arith.constant 1 : i32
    %scan3A_174 = scf.for %scan3A_318 = %scan3A_170 to %scan3A_172 step %scan3A_173 iter_args(%scan3A_319 = %scan3A_169) -> (i32)  : i32 {
      %add3A_320 = arith.constant 64 : i32
      %add3A_321 = arith.addi %add3A_320, %scan3A_318 : i32
      %get3A = arith.index_cast %add3A_321 : i32 to index
      %get3A_322 = arith.constant 0 : index
      %get3A_323 = tpu.vector_load %arg8[%get3A, %get3A_322] {strides = array<i32>} : memref<256x64xi32, #tpu.memory_space<vmem>>, vector<1x16xi32>,
      %get3A_324 = vector.shape_cast %get3A_323 : vector<1x16xi32> to vector<16xi32>
      %shift_left3A = arith.constant 16 : i32
      %shift_left3A_325 = vector.broadcast %shift_left3A : i32 to vector<16xi32>
      %shift_left3A_326 = arith.shli %get3A_324, %shift_left3A_325 : vector<16xi32>
      %bitcast_convert_type3A = tpu.bitcast %shift_left3A_326 : vector<16xi32> -> vector<16xf32>
      %and3A_327 = vector.broadcast %scan3A_168 : i32 to vector<16xi32>
      %and3A_328 = arith.andi %get3A_324, %and3A_327 : vector<16xi32>
      %bitcast_convert_type3A_329 = tpu.bitcast %and3A_328 : vector<16xi32> -> vector<16xf32>
      %add3A_330 = arith.constant 64 : i32
      %add3A_331 = arith.addi %add3A_330, %scan3A_318 : i32
      %get3A_332 = arith.index_cast %add3A_331 : i32 to index
      %get3A_333 = arith.constant 0 : index
      %get3A_334 = tpu.vector_load %arg7[%get3A_332, %get3A_333] {strides = array<i32>} : memref<256x128xf32, #tpu.memory_space<vmem>>, vector<1x16xf32>,
      %get3A_335 = vector.shape_cast %get3A_334 : vector<1x16xf32> to vector<16xf32>
      %mul3A_336 = arith.constant 11.3137083 : f32
      %mul3A_337 = vector.broadcast %mul3A_336 : f32 to vector<16xf32>
      %mul3A_338 = arith.mulf %get3A_335, %mul3A_337 : vector<16xf32>
      %add3A_339 = arith.addf %mul3A_338, %bitcast_convert_type3A : vector<16xf32>
      %add3A_340 = arith.constant 64 : i32
      %add3A_341 = arith.addi %add3A_340, %scan3A_318 : i32
      %swap3A = arith.index_cast %add3A_341 : i32 to index
      %swap3A_342 = arith.constant 0 : index
      %swap3A_343 = tpu.vector_load %arg7[%swap3A, %swap3A_342] {strides = array<i32>} : memref<256x128xf32, #tpu.memory_space<vmem>>, vector<1x16xf32>,
      %swap3A_344 = vector.shape_cast %swap3A_343 : vector<1x16xf32> to vector<16xf32>
      %swap3A_345 = vector.shape_cast %add3A_339 : vector<16xf32> to vector<1x16xf32>
      tpu.vector_store %arg7[%swap3A, %swap3A_342], %swap3A_345 {strides = array<i32>} : memref<256x128xf32, #tpu.memory_space<vmem>>, vector<1x16xf32>,
      %add3A_346 = arith.constant 64 : i32
      %add3A_347 = arith.addi %add3A_346, %scan3A_318 : i32
      %get3A_348 = arith.index_cast %add3A_347 : i32 to index
      %get3A_349 = arith.constant 16 : index
      %get3A_350 = tpu.vector_load %arg7[%get3A_348, %get3A_349] {strides = array<i32>} : memref<256x128xf32, #tpu.memory_space<vmem>>, vector<1x16xf32>,
      %get3A_351 = vector.shape_cast %get3A_350 : vector<1x16xf32> to vector<16xf32>
      %mul3A_352 = arith.constant 11.3137083 : f32
      %mul3A_353 = vector.broadcast %mul3A_352 : f32 to vector<16xf32>
      %mul3A_354 = arith.mulf %get3A_351, %mul3A_353 : vector<16xf32>
      %add3A_355 = arith.addf %mul3A_354, %bitcast_convert_type3A_329 : vector<16xf32>
      %add3A_356 = arith.constant 64 : i32
      %add3A_357 = arith.addi %add3A_356, %scan3A_318 : i32
      %swap3A_358 = arith.index_cast %add3A_357 : i32 to index
      %swap3A_359 = arith.constant 16 : index
      %swap3A_360 = tpu.vector_load %arg7[%swap3A_358, %swap3A_359] {strides = array<i32>} : memref<256x128xf32, #tpu.memory_space<vmem>>, vector<1x16xf32>,
      %swap3A_361 = vector.shape_cast %swap3A_360 : vector<1x16xf32> to vector<16xf32>
      %swap3A_362 = vector.shape_cast %add3A_355 : vector<16xf32> to vector<1x16xf32>
      tpu.vector_store %arg7[%swap3A_358, %swap3A_359], %swap3A_362 {strides = array<i32>} : memref<256x128xf32, #tpu.memory_space<vmem>>, vector<1x16xf32>,
      %add3A_363 = arith.constant 64 : i32
      %add3A_364 = arith.addi %add3A_363, %scan3A_318 : i32
      %get3A_365 = arith.index_cast %add3A_364 : i32 to index
      %get3A_366 = arith.constant 16 : index
      %get3A_367 = tpu.vector_load %arg8[%get3A_365, %get3A_366] {strides = array<i32>} : memref<256x64xi32, #tpu.memory_space<vmem>>, vector<1x16xi32>,
      %get3A_368 = vector.shape_cast %get3A_367 : vector<1x16xi32> to vector<16xi32>
      %shift_left3A_369 = arith.constant 16 : i32
      %shift_left3A_370 = vector.broadcast %shift_left3A_369 : i32 to vector<16xi32>
      %shift_left3A_371 = arith.shli %get3A_368, %shift_left3A_370 : vector<16xi32>
      %bitcast_convert_type3A_372 = tpu.bitcast %shift_left3A_371 : vector<16xi32> -> vector<16xf32>
      %and3A_373 = vector.broadcast %scan3A_168 : i32 to vector<16xi32>
      %and3A_374 = arith.andi %get3A_368, %and3A_373 : vector<16xi32>
      %bitcast_convert_type3A_375 = tpu.bitcast %and3A_374 : vector<16xi32> -> vector<16xf32>
      %add3A_376 = arith.constant 64 : i32
      %add3A_377 = arith.addi %add3A_376, %scan3A_318 : i32
      %get3A_378 = arith.index_cast %add3A_377 : i32 to index
      %get3A_379 = arith.constant 32 : index
      %get3A_380 = tpu.vector_load %arg7[%get3A_378, %get3A_379] {strides = array<i32>} : memref<256x128xf32, #tpu.memory_space<vmem>>, vector<1x16xf32>,
      %get3A_381 = vector.shape_cast %get3A_380 : vector<1x16xf32> to vector<16xf32>
      %mul3A_382 = arith.constant 11.3137083 : f32
      %mul3A_383 = vector.broadcast %mul3A_382 : f32 to vector<16xf32>
      %mul3A_384 = arith.mulf %get3A_381, %mul3A_383 : vector<16xf32>
      %add3A_385 = arith.addf %mul3A_384, %bitcast_convert_type3A_372 : vector<16xf32>
      %add3A_386 = arith.constant 64 : i32
      %add3A_387 = arith.addi %add3A_386, %scan3A_318 : i32
      %swap3A_388 = arith.index_cast %add3A_387 : i32 to index
      %swap3A_389 = arith.constant 32 : index
      %swap3A_390 = tpu.vector_load %arg7[%swap3A_388, %swap3A_389] {strides = array<i32>} : memref<256x128xf32, #tpu.memory_space<vmem>>, vector<1x16xf32>,
      %swap3A_391 = vector.shape_cast %swap3A_390 : vector<1x16xf32> to vector<16xf32>
      %swap3A_392 = vector.shape_cast %add3A_385 : vector<16xf32> to vector<1x16xf32>
      tpu.vector_store %arg7[%swap3A_388, %swap3A_389], %swap3A_392 {strides = array<i32>} : memref<256x128xf32, #tpu.memory_space<vmem>>, vector<1x16xf32>,
      %add3A_393 = arith.constant 64 : i32
      %add3A_394 = arith.addi %add3A_393, %scan3A_318 : i32
      %get3A_395 = arith.index_cast %add3A_394 : i32 to index
      %get3A_396 = arith.constant 48 : index
      %get3A_397 = tpu.vector_load %arg7[%get3A_395, %get3A_396] {strides = array<i32>} : memref<256x128xf32, #tpu.memory_space<vmem>>, vector<1x16xf32>,
      %get3A_398 = vector.shape_cast %get3A_397 : vector<1x16xf32> to vector<16xf32>
      %mul3A_399 = arith.constant 11.3137083 : f32
      %mul3A_400 = vector.broadcast %mul3A_399 : f32 to vector<16xf32>
      %mul3A_401 = arith.mulf %get3A_398, %mul3A_400 : vector<16xf32>
      %add3A_402 = arith.addf %mul3A_401, %bitcast_convert_type3A_375 : vector<16xf32>
      %add3A_403 = arith.constant 64 : i32
      %add3A_404 = arith.addi %add3A_403, %scan3A_318 : i32
      %swap3A_405 = arith.index_cast %add3A_404 : i32 to index
      %swap3A_406 = arith.constant 48 : index
      %swap3A_407 = tpu.vector_load %arg7[%swap3A_405, %swap3A_406] {strides = array<i32>} : memref<256x128xf32, #tpu.memory_space<vmem>>, vector<1x16xf32>,
      %swap3A_408 = vector.shape_cast %swap3A_407 : vector<1x16xf32> to vector<16xf32>
      %swap3A_409 = vector.shape_cast %add3A_402 : vector<16xf32> to vector<1x16xf32>
      tpu.vector_store %arg7[%swap3A_405, %swap3A_406], %swap3A_409 {strides = array<i32>} : memref<256x128xf32, #tpu.memory_space<vmem>>, vector<1x16xf32>,
      %add3A_410 = arith.constant 64 : i32
      %add3A_411 = arith.addi %add3A_410, %scan3A_318 : i32
      %get3A_412 = arith.index_cast %add3A_411 : i32 to index
      %get3A_413 = arith.constant 32 : index
      %get3A_414 = tpu.vector_load %arg8[%get3A_412, %get3A_413] {strides = array<i32>} : memref<256x64xi32, #tpu.memory_space<vmem>>, vector<1x16xi32>,
      %get3A_415 = vector.shape_cast %get3A_414 : vector<1x16xi32> to vector<16xi32>
      %shift_left3A_416 = arith.constant 16 : i32
      %shift_left3A_417 = vector.broadcast %shift_left3A_416 : i32 to vector<16xi32>
      %shift_left3A_418 = arith.shli %get3A_415, %shift_left3A_417 : vector<16xi32>
      %bitcast_convert_type3A_419 = tpu.bitcast %shift_left3A_418 : vector<16xi32> -> vector<16xf32>
      %and3A_420 = vector.broadcast %scan3A_168 : i32 to vector<16xi32>
      %and3A_421 = arith.andi %get3A_415, %and3A_420 : vector<16xi32>
      %bitcast_convert_type3A_422 = tpu.bitcast %and3A_421 : vector<16xi32> -> vector<16xf32>
      %add3A_423 = arith.constant 64 : i32
      %add3A_424 = arith.addi %add3A_423, %scan3A_318 : i32
      %get3A_425 = arith.index_cast %add3A_424 : i32 to index
      %get3A_426 = arith.constant 64 : index
      %get3A_427 = tpu.vector_load %arg7[%get3A_425, %get3A_426] {strides = array<i32>} : memref<256x128xf32, #tpu.memory_space<vmem>>, vector<1x16xf32>,
      %get3A_428 = vector.shape_cast %get3A_427 : vector<1x16xf32> to vector<16xf32>
      %mul3A_429 = arith.constant 11.3137083 : f32
      %mul3A_430 = vector.broadcast %mul3A_429 : f32 to vector<16xf32>
      %mul3A_431 = arith.mulf %get3A_428, %mul3A_430 : vector<16xf32>
      %add3A_432 = arith.addf %mul3A_431, %bitcast_convert_type3A_419 : vector<16xf32>
      %add3A_433 = arith.constant 64 : i32
      %add3A_434 = arith.addi %add3A_433, %scan3A_318 : i32
      %swap3A_435 = arith.index_cast %add3A_434 : i32 to index
      %swap3A_436 = arith.constant 64 : index
      %swap3A_437 = tpu.vector_load %arg7[%swap3A_435, %swap3A_436] {strides = array<i32>} : memref<256x128xf32, #tpu.memory_space<vmem>>, vector<1x16xf32>,
      %swap3A_438 = vector.shape_cast %swap3A_437 : vector<1x16xf32> to vector<16xf32>
      %swap3A_439 = vector.shape_cast %add3A_432 : vector<16xf32> to vector<1x16xf32>
      tpu.vector_store %arg7[%swap3A_435, %swap3A_436], %swap3A_439 {strides = array<i32>} : memref<256x128xf32, #tpu.memory_space<vmem>>, vector<1x16xf32>,
      %add3A_440 = arith.constant 64 : i32
      %add3A_441 = arith.addi %add3A_440, %scan3A_318 : i32
      %get3A_442 = arith.index_cast %add3A_441 : i32 to index
      %get3A_443 = arith.constant 80 : index
      %get3A_444 = tpu.vector_load %arg7[%get3A_442, %get3A_443] {strides = array<i32>} : memref<256x128xf32, #tpu.memory_space<vmem>>, vector<1x16xf32>,
      %get3A_445 = vector.shape_cast %get3A_444 : vector<1x16xf32> to vector<16xf32>
      %mul3A_446 = arith.constant 11.3137083 : f32
      %mul3A_447 = vector.broadcast %mul3A_446 : f32 to vector<16xf32>
      %mul3A_448 = arith.mulf %get3A_445, %mul3A_447 : vector<16xf32>
      %add3A_449 = arith.addf %mul3A_448, %bitcast_convert_type3A_422 : vector<16xf32>
      %add3A_450 = arith.constant 64 : i32
      %add3A_451 = arith.addi %add3A_450, %scan3A_318 : i32
      %swap3A_452 = arith.index_cast %add3A_451 : i32 to index
      %swap3A_453 = arith.constant 80 : index
      %swap3A_454 = tpu.vector_load %arg7[%swap3A_452, %swap3A_453] {strides = array<i32>} : memref<256x128xf32, #tpu.memory_space<vmem>>, vector<1x16xf32>,
      %swap3A_455 = vector.shape_cast %swap3A_454 : vector<1x16xf32> to vector<16xf32>
      %swap3A_456 = vector.shape_cast %add3A_449 : vector<16xf32> to vector<1x16xf32>
      tpu.vector_store %arg7[%swap3A_452, %swap3A_453], %swap3A_456 {strides = array<i32>} : memref<256x128xf32, #tpu.memory_space<vmem>>, vector<1x16xf32>,
      %add3A_457 = arith.constant 64 : i32
      %add3A_458 = arith.addi %add3A_457, %scan3A_318 : i32
      %get3A_459 = arith.index_cast %add3A_458 : i32 to index
      %get3A_460 = arith.constant 48 : index
      %get3A_461 = tpu.vector_load %arg8[%get3A_459, %get3A_460] {strides = array<i32>} : memref<256x64xi32, #tpu.memory_space<vmem>>, vector<1x16xi32>,
      %get3A_462 = vector.shape_cast %get3A_461 : vector<1x16xi32> to vector<16xi32>
      %shift_left3A_463 = arith.constant 16 : i32
      %shift_left3A_464 = vector.broadcast %shift_left3A_463 : i32 to vector<16xi32>
      %shift_left3A_465 = arith.shli %get3A_462, %shift_left3A_464 : vector<16xi32>
      %bitcast_convert_type3A_466 = tpu.bitcast %shift_left3A_465 : vector<16xi32> -> vector<16xf32>
      %and3A_467 = vector.broadcast %scan3A_168 : i32 to vector<16xi32>
      %and3A_468 = arith.andi %get3A_462, %and3A_467 : vector<16xi32>
      %bitcast_convert_type3A_469 = tpu.bitcast %and3A_468 : vector<16xi32> -> vector<16xf32>
      %add3A_470 = arith.constant 64 : i32
      %add3A_471 = arith.addi %add3A_470, %scan3A_318 : i32
      %get3A_472 = arith.index_cast %add3A_471 : i32 to index
      %get3A_473 = arith.constant 96 : index
      %get3A_474 = tpu.vector_load %arg7[%get3A_472, %get3A_473] {strides = array<i32>} : memref<256x128xf32, #tpu.memory_space<vmem>>, vector<1x16xf32>,
      %get3A_475 = vector.shape_cast %get3A_474 : vector<1x16xf32> to vector<16xf32>
      %mul3A_476 = arith.constant 11.3137083 : f32
      %mul3A_477 = vector.broadcast %mul3A_476 : f32 to vector<16xf32>
      %mul3A_478 = arith.mulf %get3A_475, %mul3A_477 : vector<16xf32>
      %add3A_479 = arith.addf %mul3A_478, %bitcast_convert_type3A_466 : vector<16xf32>
      %add3A_480 = arith.constant 64 : i32
      %add3A_481 = arith.addi %add3A_480, %scan3A_318 : i32
      %swap3A_482 = arith.index_cast %add3A_481 : i32 to index
      %swap3A_483 = arith.constant 96 : index
      %swap3A_484 = tpu.vector_load %arg7[%swap3A_482, %swap3A_483] {strides = array<i32>} : memref<256x128xf32, #tpu.memory_space<vmem>>, vector<1x16xf32>,
      %swap3A_485 = vector.shape_cast %swap3A_484 : vector<1x16xf32> to vector<16xf32>
      %swap3A_486 = vector.shape_cast %add3A_479 : vector<16xf32> to vector<1x16xf32>
      tpu.vector_store %arg7[%swap3A_482, %swap3A_483], %swap3A_486 {strides = array<i32>} : memref<256x128xf32, #tpu.memory_space<vmem>>, vector<1x16xf32>,
      %add3A_487 = arith.constant 64 : i32
      %add3A_488 = arith.addi %add3A_487, %scan3A_318 : i32
      %get3A_489 = arith.index_cast %add3A_488 : i32 to index
      %get3A_490 = arith.constant 112 : index
      %get3A_491 = tpu.vector_load %arg7[%get3A_489, %get3A_490] {strides = array<i32>} : memref<256x128xf32, #tpu.memory_space<vmem>>, vector<1x16xf32>,
      %get3A_492 = vector.shape_cast %get3A_491 : vector<1x16xf32> to vector<16xf32>
      %mul3A_493 = arith.constant 11.3137083 : f32
      %mul3A_494 = vector.broadcast %mul3A_493 : f32 to vector<16xf32>
      %mul3A_495 = arith.mulf %get3A_492, %mul3A_494 : vector<16xf32>
      %add3A_496 = arith.addf %mul3A_495, %bitcast_convert_type3A_469 : vector<16xf32>
      %add3A_497 = arith.constant 64 : i32
      %add3A_498 = arith.addi %add3A_497, %scan3A_318 : i32
      %swap3A_499 = arith.index_cast %add3A_498 : i32 to index
      %swap3A_500 = arith.constant 112 : index
      %swap3A_501 = tpu.vector_load %arg7[%swap3A_499, %swap3A_500] {strides = array<i32>} : memref<256x128xf32, #tpu.memory_space<vmem>>, vector<1x16xf32>,
      %swap3A_502 = vector.shape_cast %swap3A_501 : vector<1x16xf32> to vector<16xf32>
      %swap3A_503 = vector.shape_cast %add3A_496 : vector<16xf32> to vector<1x16xf32>
      tpu.vector_store %arg7[%swap3A_499, %swap3A_500], %swap3A_503 {strides = array<i32>} : memref<256x128xf32, #tpu.memory_space<vmem>>, vector<1x16xf32>,
      %scan3A_504 = arith.constant 0 : i32
      scf.yield %scan3A_504 : i32
    }
    %scan3A_175 = arith.constant 64 : i32
    %add3A_176 = arith.constant 64 : i32
    %add3A_177 = arith.addi %mul3A_32, %add3A_176 : i32
    %dma_start3A_178 = arith.constant 64 : i32
    %dma_start3A_179 = arith.constant 0 : i32
    %dma_start3A_180 = tpu.memref_slice %arg7[%dma_start3A_178, %dma_start3A_179] : memref<256x128xf32, #tpu.memory_space<vmem>> -> memref<64x128xf32, #tpu.memory_space<vmem>>
    %dma_start3A_181 = arith.constant 0 : i32
    %dma_start3A_182 = tpu.memref_slice %arg5[%select_n3A, %add3A_177, %dma_start3A_181] : memref<4x2048x128xf32, #tpu.memory_space<hbm>> -> memref<1x64x128xf32, #tpu.memory_space<hbm>>
    %dma_start3A_183 = tpu.memref_squeeze %dma_start3A_182 : memref<1x64x128xf32, #tpu.memory_space<hbm>> -> memref<64x128xf32, #tpu.memory_space<hbm>>
    %dma_start3A_184 = arith.constant 0 : i32
    %dma_start3A_185 = tpu.memref_slice %arg5[%select_n3A, %add3A_177, %dma_start3A_184] : memref<4x2048x128xf32, #tpu.memory_space<hbm>> -> memref<1x64x128xf32, #tpu.memory_space<hbm>>
    %dma_start3A_186 = tpu.memref_squeeze %dma_start3A_185 : memref<1x64x128xf32, #tpu.memory_space<hbm>> -> memref<64x128xf32, #tpu.memory_space<hbm>>
    %dma_start3A_187 = arith.constant 64 : i32
    %dma_start3A_188 = arith.constant 0 : i32
    %dma_start3A_189 = tpu.memref_slice %arg7[%dma_start3A_187, %dma_start3A_188] : memref<256x128xf32, #tpu.memory_space<vmem>> -> memref<64x128xf32, #tpu.memory_space<vmem>>
    tpu.enqueue_dma source(%dma_start3A_189 : memref<64x128xf32, #tpu.memory_space<vmem>>) target(%dma_start3A_186 : memref<64x128xf32, #tpu.memory_space<hbm>>) target_semaphore(%arg17 : memref<!tpu.dma_semaphore, #tpu.memory_space<semaphore_mem>>)
    %dma_wait3A_190 = arith.constant 128 : i32
    %dma_wait3A_191 = arith.constant 0 : i32
    %dma_wait3A_192 = tpu.memref_slice %arg7[%dma_wait3A_190, %dma_wait3A_191] : memref<256x128xf32, #tpu.memory_space<vmem>> -> memref<64x128xf32, #tpu.memory_space<vmem>>
    %dma_wait3A_193 = arith.constant 128 : i32
    %dma_wait3A_194 = tpu.memref_slice %arg6[%dma_wait3A_193] : memref<256xi32, #tpu.memory_space<vmem>> -> memref<64xi32, #tpu.memory_space<vmem>>
    %dma_wait3A_195 = arith.constant 0 : i32
    %dma_wait3A_196 = arith.constant 0 : i32
    %dma_wait3A_197 = tpu.memref_slice %arg3[%dma_wait3A_195, %dma_wait3A_196] : memref<100000x128xf32, #tpu.memory_space<hbm>> -> memref<100000x128xf32, #tpu.memory_space<hbm>>
    tpu.wait_indirect_dma semaphore(%arg11 : memref<!tpu.dma_semaphore, #tpu.memory_space<semaphore_mem>>) src(%dma_wait3A_197 : memref<100000x128xf32, #tpu.memory_space<hbm>>) dst(%dma_wait3A_192 : memref<64x128xf32, #tpu.memory_space<vmem>>)
    %dma_wait3A_198 = arith.constant 128 : i32
    %dma_wait3A_199 = arith.constant 0 : i32
    %dma_wait3A_200 = tpu.memref_slice %arg8[%dma_wait3A_198, %dma_wait3A_199] : memref<256x64xi32, #tpu.memory_space<vmem>> -> memref<64x64xi32, #tpu.memory_space<vmem>>
    %dma_wait3A_201 = arith.constant 0 : i32
    %dma_wait3A_202 = tpu.memref_slice %arg4[%add3A_57, %dma_wait3A_201] : memref<2048x64xi32, #tpu.memory_space<hbm>> -> memref<64x64xi32, #tpu.memory_space<hbm>>
    %dma_wait3A_203 = arith.constant 128 : i32
    %dma_wait3A_204 = arith.constant 0 : i32
    %dma_wait3A_205 = tpu.memref_slice %arg8[%dma_wait3A_203, %dma_wait3A_204] : memref<256x64xi32, #tpu.memory_space<vmem>> -> memref<64x64xi32, #tpu.memory_space<vmem>>
    %dma_wait3A_206 = arith.constant 0 : i32
    %dma_wait3A_207 = tpu.memref_slice %arg4[%add3A_57, %dma_wait3A_206] : memref<2048x64xi32, #tpu.memory_space<hbm>> -> memref<64x64xi32, #tpu.memory_space<hbm>>
    tpu.wait_dma2 semaphore(%arg15 : memref<!tpu.dma_semaphore, #tpu.memory_space<semaphore_mem>>) src(%dma_wait3A_207 : memref<64x64xi32, #tpu.memory_space<hbm>>) dst(%dma_wait3A_205 : memref<64x64xi32, #tpu.memory_space<vmem>>)
    %scan3A_208 = arith.constant -65536 : i32
    %scan3A_209 = arith.constant 0 : i32
    %scan3A_210 = arith.constant 0 : i32
    %scan3A_211 = arith.constant 64 : i32
    %scan3A_212 = arith.addi %scan3A_210, %scan3A_211 : i32
    %scan3A_213 = arith.constant 1 : i32
    %scan3A_214 = scf.for %scan3A_318 = %scan3A_210 to %scan3A_212 step %scan3A_213 iter_args(%scan3A_319 = %scan3A_209) -> (i32)  : i32 {
      %add3A_320 = arith.constant 128 : i32
      %add3A_321 = arith.addi %add3A_320, %scan3A_318 : i32
      %get3A = arith.index_cast %add3A_321 : i32 to index
      %get3A_322 = arith.constant 0 : index
      %get3A_323 = tpu.vector_load %arg8[%get3A, %get3A_322] {strides = array<i32>} : memref<256x64xi32, #tpu.memory_space<vmem>>, vector<1x16xi32>,
      %get3A_324 = vector.shape_cast %get3A_323 : vector<1x16xi32> to vector<16xi32>
      %shift_left3A = arith.constant 16 : i32
      %shift_left3A_325 = vector.broadcast %shift_left3A : i32 to vector<16xi32>
      %shift_left3A_326 = arith.shli %get3A_324, %shift_left3A_325 : vector<16xi32>
      %bitcast_convert_type3A = tpu.bitcast %shift_left3A_326 : vector<16xi32> -> vector<16xf32>
      %and3A_327 = vector.broadcast %scan3A_208 : i32 to vector<16xi32>
      %and3A_328 = arith.andi %get3A_324, %and3A_327 : vector<16xi32>
      %bitcast_convert_type3A_329 = tpu.bitcast %and3A_328 : vector<16xi32> -> vector<16xf32>
      %add3A_330 = arith.constant 128 : i32
      %add3A_331 = arith.addi %add3A_330, %scan3A_318 : i32
      %get3A_332 = arith.index_cast %add3A_331 : i32 to index
      %get3A_333 = arith.constant 0 : index
      %get3A_334 = tpu.vector_load %arg7[%get3A_332, %get3A_333] {strides = array<i32>} : memref<256x128xf32, #tpu.memory_space<vmem>>, vector<1x16xf32>,
      %get3A_335 = vector.shape_cast %get3A_334 : vector<1x16xf32> to vector<16xf32>
      %mul3A_336 = arith.constant 11.3137083 : f32
      %mul3A_337 = vector.broadcast %mul3A_336 : f32 to vector<16xf32>
      %mul3A_338 = arith.mulf %get3A_335, %mul3A_337 : vector<16xf32>
      %add3A_339 = arith.addf %mul3A_338, %bitcast_convert_type3A : vector<16xf32>
      %add3A_340 = arith.constant 128 : i32
      %add3A_341 = arith.addi %add3A_340, %scan3A_318 : i32
      %swap3A = arith.index_cast %add3A_341 : i32 to index
      %swap3A_342 = arith.constant 0 : index
      %swap3A_343 = tpu.vector_load %arg7[%swap3A, %swap3A_342] {strides = array<i32>} : memref<256x128xf32, #tpu.memory_space<vmem>>, vector<1x16xf32>,
      %swap3A_344 = vector.shape_cast %swap3A_343 : vector<1x16xf32> to vector<16xf32>
      %swap3A_345 = vector.shape_cast %add3A_339 : vector<16xf32> to vector<1x16xf32>
      tpu.vector_store %arg7[%swap3A, %swap3A_342], %swap3A_345 {strides = array<i32>} : memref<256x128xf32, #tpu.memory_space<vmem>>, vector<1x16xf32>,
      %add3A_346 = arith.constant 128 : i32
      %add3A_347 = arith.addi %add3A_346, %scan3A_318 : i32
      %get3A_348 = arith.index_cast %add3A_347 : i32 to index
      %get3A_349 = arith.constant 16 : index
      %get3A_350 = tpu.vector_load %arg7[%get3A_348, %get3A_349] {strides = array<i32>} : memref<256x128xf32, #tpu.memory_space<vmem>>, vector<1x16xf32>,
      %get3A_351 = vector.shape_cast %get3A_350 : vector<1x16xf32> to vector<16xf32>
      %mul3A_352 = arith.constant 11.3137083 : f32
      %mul3A_353 = vector.broadcast %mul3A_352 : f32 to vector<16xf32>
      %mul3A_354 = arith.mulf %get3A_351, %mul3A_353 : vector<16xf32>
      %add3A_355 = arith.addf %mul3A_354, %bitcast_convert_type3A_329 : vector<16xf32>
      %add3A_356 = arith.constant 128 : i32
      %add3A_357 = arith.addi %add3A_356, %scan3A_318 : i32
      %swap3A_358 = arith.index_cast %add3A_357 : i32 to index
      %swap3A_359 = arith.constant 16 : index
      %swap3A_360 = tpu.vector_load %arg7[%swap3A_358, %swap3A_359] {strides = array<i32>} : memref<256x128xf32, #tpu.memory_space<vmem>>, vector<1x16xf32>,
      %swap3A_361 = vector.shape_cast %swap3A_360 : vector<1x16xf32> to vector<16xf32>
      %swap3A_362 = vector.shape_cast %add3A_355 : vector<16xf32> to vector<1x16xf32>
      tpu.vector_store %arg7[%swap3A_358, %swap3A_359], %swap3A_362 {strides = array<i32>} : memref<256x128xf32, #tpu.memory_space<vmem>>, vector<1x16xf32>,
      %add3A_363 = arith.constant 128 : i32
      %add3A_364 = arith.addi %add3A_363, %scan3A_318 : i32
      %get3A_365 = arith.index_cast %add3A_364 : i32 to index
      %get3A_366 = arith.constant 16 : index
      %get3A_367 = tpu.vector_load %arg8[%get3A_365, %get3A_366] {strides = array<i32>} : memref<256x64xi32, #tpu.memory_space<vmem>>, vector<1x16xi32>,
      %get3A_368 = vector.shape_cast %get3A_367 : vector<1x16xi32> to vector<16xi32>
      %shift_left3A_369 = arith.constant 16 : i32
      %shift_left3A_370 = vector.broadcast %shift_left3A_369 : i32 to vector<16xi32>
      %shift_left3A_371 = arith.shli %get3A_368, %shift_left3A_370 : vector<16xi32>
      %bitcast_convert_type3A_372 = tpu.bitcast %shift_left3A_371 : vector<16xi32> -> vector<16xf32>
      %and3A_373 = vector.broadcast %scan3A_208 : i32 to vector<16xi32>
      %and3A_374 = arith.andi %get3A_368, %and3A_373 : vector<16xi32>
      %bitcast_convert_type3A_375 = tpu.bitcast %and3A_374 : vector<16xi32> -> vector<16xf32>
      %add3A_376 = arith.constant 128 : i32
      %add3A_377 = arith.addi %add3A_376, %scan3A_318 : i32
      %get3A_378 = arith.index_cast %add3A_377 : i32 to index
      %get3A_379 = arith.constant 32 : index
      %get3A_380 = tpu.vector_load %arg7[%get3A_378, %get3A_379] {strides = array<i32>} : memref<256x128xf32, #tpu.memory_space<vmem>>, vector<1x16xf32>,
      %get3A_381 = vector.shape_cast %get3A_380 : vector<1x16xf32> to vector<16xf32>
      %mul3A_382 = arith.constant 11.3137083 : f32
      %mul3A_383 = vector.broadcast %mul3A_382 : f32 to vector<16xf32>
      %mul3A_384 = arith.mulf %get3A_381, %mul3A_383 : vector<16xf32>
      %add3A_385 = arith.addf %mul3A_384, %bitcast_convert_type3A_372 : vector<16xf32>
      %add3A_386 = arith.constant 128 : i32
      %add3A_387 = arith.addi %add3A_386, %scan3A_318 : i32
      %swap3A_388 = arith.index_cast %add3A_387 : i32 to index
      %swap3A_389 = arith.constant 32 : index
      %swap3A_390 = tpu.vector_load %arg7[%swap3A_388, %swap3A_389] {strides = array<i32>} : memref<256x128xf32, #tpu.memory_space<vmem>>, vector<1x16xf32>,
      %swap3A_391 = vector.shape_cast %swap3A_390 : vector<1x16xf32> to vector<16xf32>
      %swap3A_392 = vector.shape_cast %add3A_385 : vector<16xf32> to vector<1x16xf32>
      tpu.vector_store %arg7[%swap3A_388, %swap3A_389], %swap3A_392 {strides = array<i32>} : memref<256x128xf32, #tpu.memory_space<vmem>>, vector<1x16xf32>,
      %add3A_393 = arith.constant 128 : i32
      %add3A_394 = arith.addi %add3A_393, %scan3A_318 : i32
      %get3A_395 = arith.index_cast %add3A_394 : i32 to index
      %get3A_396 = arith.constant 48 : index
      %get3A_397 = tpu.vector_load %arg7[%get3A_395, %get3A_396] {strides = array<i32>} : memref<256x128xf32, #tpu.memory_space<vmem>>, vector<1x16xf32>,
      %get3A_398 = vector.shape_cast %get3A_397 : vector<1x16xf32> to vector<16xf32>
      %mul3A_399 = arith.constant 11.3137083 : f32
      %mul3A_400 = vector.broadcast %mul3A_399 : f32 to vector<16xf32>
      %mul3A_401 = arith.mulf %get3A_398, %mul3A_400 : vector<16xf32>
      %add3A_402 = arith.addf %mul3A_401, %bitcast_convert_type3A_375 : vector<16xf32>
      %add3A_403 = arith.constant 128 : i32
      %add3A_404 = arith.addi %add3A_403, %scan3A_318 : i32
      %swap3A_405 = arith.index_cast %add3A_404 : i32 to index
      %swap3A_406 = arith.constant 48 : index
      %swap3A_407 = tpu.vector_load %arg7[%swap3A_405, %swap3A_406] {strides = array<i32>} : memref<256x128xf32, #tpu.memory_space<vmem>>, vector<1x16xf32>,
      %swap3A_408 = vector.shape_cast %swap3A_407 : vector<1x16xf32> to vector<16xf32>
      %swap3A_409 = vector.shape_cast %add3A_402 : vector<16xf32> to vector<1x16xf32>
      tpu.vector_store %arg7[%swap3A_405, %swap3A_406], %swap3A_409 {strides = array<i32>} : memref<256x128xf32, #tpu.memory_space<vmem>>, vector<1x16xf32>,
      %add3A_410 = arith.constant 128 : i32
      %add3A_411 = arith.addi %add3A_410, %scan3A_318 : i32
      %get3A_412 = arith.index_cast %add3A_411 : i32 to index
      %get3A_413 = arith.constant 32 : index
      %get3A_414 = tpu.vector_load %arg8[%get3A_412, %get3A_413] {strides = array<i32>} : memref<256x64xi32, #tpu.memory_space<vmem>>, vector<1x16xi32>,
      %get3A_415 = vector.shape_cast %get3A_414 : vector<1x16xi32> to vector<16xi32>
      %shift_left3A_416 = arith.constant 16 : i32
      %shift_left3A_417 = vector.broadcast %shift_left3A_416 : i32 to vector<16xi32>
      %shift_left3A_418 = arith.shli %get3A_415, %shift_left3A_417 : vector<16xi32>
      %bitcast_convert_type3A_419 = tpu.bitcast %shift_left3A_418 : vector<16xi32> -> vector<16xf32>
      %and3A_420 = vector.broadcast %scan3A_208 : i32 to vector<16xi32>
      %and3A_421 = arith.andi %get3A_415, %and3A_420 : vector<16xi32>
      %bitcast_convert_type3A_422 = tpu.bitcast %and3A_421 : vector<16xi32> -> vector<16xf32>
      %add3A_423 = arith.constant 128 : i32
      %add3A_424 = arith.addi %add3A_423, %scan3A_318 : i32
      %get3A_425 = arith.index_cast %add3A_424 : i32 to index
      %get3A_426 = arith.constant 64 : index
      %get3A_427 = tpu.vector_load %arg7[%get3A_425, %get3A_426] {strides = array<i32>} : memref<256x128xf32, #tpu.memory_space<vmem>>, vector<1x16xf32>,
      %get3A_428 = vector.shape_cast %get3A_427 : vector<1x16xf32> to vector<16xf32>
      %mul3A_429 = arith.constant 11.3137083 : f32
      %mul3A_430 = vector.broadcast %mul3A_429 : f32 to vector<16xf32>
      %mul3A_431 = arith.mulf %get3A_428, %mul3A_430 : vector<16xf32>
      %add3A_432 = arith.addf %mul3A_431, %bitcast_convert_type3A_419 : vector<16xf32>
      %add3A_433 = arith.constant 128 : i32
      %add3A_434 = arith.addi %add3A_433, %scan3A_318 : i32
      %swap3A_435 = arith.index_cast %add3A_434 : i32 to index
      %swap3A_436 = arith.constant 64 : index
      %swap3A_437 = tpu.vector_load %arg7[%swap3A_435, %swap3A_436] {strides = array<i32>} : memref<256x128xf32, #tpu.memory_space<vmem>>, vector<1x16xf32>,
      %swap3A_438 = vector.shape_cast %swap3A_437 : vector<1x16xf32> to vector<16xf32>
      %swap3A_439 = vector.shape_cast %add3A_432 : vector<16xf32> to vector<1x16xf32>
      tpu.vector_store %arg7[%swap3A_435, %swap3A_436], %swap3A_439 {strides = array<i32>} : memref<256x128xf32, #tpu.memory_space<vmem>>, vector<1x16xf32>,
      %add3A_440 = arith.constant 128 : i32
      %add3A_441 = arith.addi %add3A_440, %scan3A_318 : i32
      %get3A_442 = arith.index_cast %add3A_441 : i32 to index
      %get3A_443 = arith.constant 80 : index
      %get3A_444 = tpu.vector_load %arg7[%get3A_442, %get3A_443] {strides = array<i32>} : memref<256x128xf32, #tpu.memory_space<vmem>>, vector<1x16xf32>,
      %get3A_445 = vector.shape_cast %get3A_444 : vector<1x16xf32> to vector<16xf32>
      %mul3A_446 = arith.constant 11.3137083 : f32
      %mul3A_447 = vector.broadcast %mul3A_446 : f32 to vector<16xf32>
      %mul3A_448 = arith.mulf %get3A_445, %mul3A_447 : vector<16xf32>
      %add3A_449 = arith.addf %mul3A_448, %bitcast_convert_type3A_422 : vector<16xf32>
      %add3A_450 = arith.constant 128 : i32
      %add3A_451 = arith.addi %add3A_450, %scan3A_318 : i32
      %swap3A_452 = arith.index_cast %add3A_451 : i32 to index
      %swap3A_453 = arith.constant 80 : index
      %swap3A_454 = tpu.vector_load %arg7[%swap3A_452, %swap3A_453] {strides = array<i32>} : memref<256x128xf32, #tpu.memory_space<vmem>>, vector<1x16xf32>,
      %swap3A_455 = vector.shape_cast %swap3A_454 : vector<1x16xf32> to vector<16xf32>
      %swap3A_456 = vector.shape_cast %add3A_449 : vector<16xf32> to vector<1x16xf32>
      tpu.vector_store %arg7[%swap3A_452, %swap3A_453], %swap3A_456 {strides = array<i32>} : memref<256x128xf32, #tpu.memory_space<vmem>>, vector<1x16xf32>,
      %add3A_457 = arith.constant 128 : i32
      %add3A_458 = arith.addi %add3A_457, %scan3A_318 : i32
      %get3A_459 = arith.index_cast %add3A_458 : i32 to index
      %get3A_460 = arith.constant 48 : index
      %get3A_461 = tpu.vector_load %arg8[%get3A_459, %get3A_460] {strides = array<i32>} : memref<256x64xi32, #tpu.memory_space<vmem>>, vector<1x16xi32>,
      %get3A_462 = vector.shape_cast %get3A_461 : vector<1x16xi32> to vector<16xi32>
      %shift_left3A_463 = arith.constant 16 : i32
      %shift_left3A_464 = vector.broadcast %shift_left3A_463 : i32 to vector<16xi32>
      %shift_left3A_465 = arith.shli %get3A_462, %shift_left3A_464 : vector<16xi32>
      %bitcast_convert_type3A_466 = tpu.bitcast %shift_left3A_465 : vector<16xi32> -> vector<16xf32>
      %and3A_467 = vector.broadcast %scan3A_208 : i32 to vector<16xi32>
      %and3A_468 = arith.andi %get3A_462, %and3A_467 : vector<16xi32>
      %bitcast_convert_type3A_469 = tpu.bitcast %and3A_468 : vector<16xi32> -> vector<16xf32>
      %add3A_470 = arith.constant 128 : i32
      %add3A_471 = arith.addi %add3A_470, %scan3A_318 : i32
      %get3A_472 = arith.index_cast %add3A_471 : i32 to index
      %get3A_473 = arith.constant 96 : index
      %get3A_474 = tpu.vector_load %arg7[%get3A_472, %get3A_473] {strides = array<i32>} : memref<256x128xf32, #tpu.memory_space<vmem>>, vector<1x16xf32>,
      %get3A_475 = vector.shape_cast %get3A_474 : vector<1x16xf32> to vector<16xf32>
      %mul3A_476 = arith.constant 11.3137083 : f32
      %mul3A_477 = vector.broadcast %mul3A_476 : f32 to vector<16xf32>
      %mul3A_478 = arith.mulf %get3A_475, %mul3A_477 : vector<16xf32>
      %add3A_479 = arith.addf %mul3A_478, %bitcast_convert_type3A_466 : vector<16xf32>
      %add3A_480 = arith.constant 128 : i32
      %add3A_481 = arith.addi %add3A_480, %scan3A_318 : i32
      %swap3A_482 = arith.index_cast %add3A_481 : i32 to index
      %swap3A_483 = arith.constant 96 : index
      %swap3A_484 = tpu.vector_load %arg7[%swap3A_482, %swap3A_483] {strides = array<i32>} : memref<256x128xf32, #tpu.memory_space<vmem>>, vector<1x16xf32>,
      %swap3A_485 = vector.shape_cast %swap3A_484 : vector<1x16xf32> to vector<16xf32>
      %swap3A_486 = vector.shape_cast %add3A_479 : vector<16xf32> to vector<1x16xf32>
      tpu.vector_store %arg7[%swap3A_482, %swap3A_483], %swap3A_486 {strides = array<i32>} : memref<256x128xf32, #tpu.memory_space<vmem>>, vector<1x16xf32>,
      %add3A_487 = arith.constant 128 : i32
      %add3A_488 = arith.addi %add3A_487, %scan3A_318 : i32
      %get3A_489 = arith.index_cast %add3A_488 : i32 to index
      %get3A_490 = arith.constant 112 : index
      %get3A_491 = tpu.vector_load %arg7[%get3A_489, %get3A_490] {strides = array<i32>} : memref<256x128xf32, #tpu.memory_space<vmem>>, vector<1x16xf32>,
      %get3A_492 = vector.shape_cast %get3A_491 : vector<1x16xf32> to vector<16xf32>
      %mul3A_493 = arith.constant 11.3137083 : f32
      %mul3A_494 = vector.broadcast %mul3A_493 : f32 to vector<16xf32>
      %mul3A_495 = arith.mulf %get3A_492, %mul3A_494 : vector<16xf32>
      %add3A_496 = arith.addf %mul3A_495, %bitcast_convert_type3A_469 : vector<16xf32>
      %add3A_497 = arith.constant 128 : i32
      %add3A_498 = arith.addi %add3A_497, %scan3A_318 : i32
      %swap3A_499 = arith.index_cast %add3A_498 : i32 to index
      %swap3A_500 = arith.constant 112 : index
      %swap3A_501 = tpu.vector_load %arg7[%swap3A_499, %swap3A_500] {strides = array<i32>} : memref<256x128xf32, #tpu.memory_space<vmem>>, vector<1x16xf32>,
      %swap3A_502 = vector.shape_cast %swap3A_501 : vector<1x16xf32> to vector<16xf32>
      %swap3A_503 = vector.shape_cast %add3A_496 : vector<16xf32> to vector<1x16xf32>
      tpu.vector_store %arg7[%swap3A_499, %swap3A_500], %swap3A_503 {strides = array<i32>} : memref<256x128xf32, #tpu.memory_space<vmem>>, vector<1x16xf32>,
      %scan3A_504 = arith.constant 0 : i32
      scf.yield %scan3A_504 : i32
    }
    %scan3A_215 = arith.constant 64 : i32
    %add3A_216 = arith.constant 128 : i32
    %add3A_217 = arith.addi %mul3A_32, %add3A_216 : i32
    %dma_start3A_218 = arith.constant 128 : i32
    %dma_start3A_219 = arith.constant 0 : i32
    %dma_start3A_220 = tpu.memref_slice %arg7[%dma_start3A_218, %dma_start3A_219] : memref<256x128xf32, #tpu.memory_space<vmem>> -> memref<64x128xf32, #tpu.memory_space<vmem>>
    %dma_start3A_221 = arith.constant 0 : i32
    %dma_start3A_222 = tpu.memref_slice %arg5[%select_n3A, %add3A_217, %dma_start3A_221] : memref<4x2048x128xf32, #tpu.memory_space<hbm>> -> memref<1x64x128xf32, #tpu.memory_space<hbm>>
    %dma_start3A_223 = tpu.memref_squeeze %dma_start3A_222 : memref<1x64x128xf32, #tpu.memory_space<hbm>> -> memref<64x128xf32, #tpu.memory_space<hbm>>
    %dma_start3A_224 = arith.constant 0 : i32
    %dma_start3A_225 = tpu.memref_slice %arg5[%select_n3A, %add3A_217, %dma_start3A_224] : memref<4x2048x128xf32, #tpu.memory_space<hbm>> -> memref<1x64x128xf32, #tpu.memory_space<hbm>>
    %dma_start3A_226 = tpu.memref_squeeze %dma_start3A_225 : memref<1x64x128xf32, #tpu.memory_space<hbm>> -> memref<64x128xf32, #tpu.memory_space<hbm>>
    %dma_start3A_227 = arith.constant 128 : i32
    %dma_start3A_228 = arith.constant 0 : i32
    %dma_start3A_229 = tpu.memref_slice %arg7[%dma_start3A_227, %dma_start3A_228] : memref<256x128xf32, #tpu.memory_space<vmem>> -> memref<64x128xf32, #tpu.memory_space<vmem>>
    tpu.enqueue_dma source(%dma_start3A_229 : memref<64x128xf32, #tpu.memory_space<vmem>>) target(%dma_start3A_226 : memref<64x128xf32, #tpu.memory_space<hbm>>) target_semaphore(%arg17 : memref<!tpu.dma_semaphore, #tpu.memory_space<semaphore_mem>>)
    %dma_wait3A_230 = arith.constant 192 : i32
    %dma_wait3A_231 = arith.constant 0 : i32
    %dma_wait3A_232 = tpu.memref_slice %arg7[%dma_wait3A_230, %dma_wait3A_231] : memref<256x128xf32, #tpu.memory_space<vmem>> -> memref<64x128xf32, #tpu.memory_space<vmem>>
    %dma_wait3A_233 = arith.constant 192 : i32
    %dma_wait3A_234 = tpu.memref_slice %arg6[%dma_wait3A_233] : memref<256xi32, #tpu.memory_space<vmem>> -> memref<64xi32, #tpu.memory_space<vmem>>
    %dma_wait3A_235 = arith.constant 0 : i32
    %dma_wait3A_236 = arith.constant 0 : i32
    %dma_wait3A_237 = tpu.memref_slice %arg3[%dma_wait3A_235, %dma_wait3A_236] : memref<100000x128xf32, #tpu.memory_space<hbm>> -> memref<100000x128xf32, #tpu.memory_space<hbm>>
    tpu.wait_indirect_dma semaphore(%arg12 : memref<!tpu.dma_semaphore, #tpu.memory_space<semaphore_mem>>) src(%dma_wait3A_237 : memref<100000x128xf32, #tpu.memory_space<hbm>>) dst(%dma_wait3A_232 : memref<64x128xf32, #tpu.memory_space<vmem>>)
    %dma_wait3A_238 = arith.constant 192 : i32
    %dma_wait3A_239 = arith.constant 0 : i32
    %dma_wait3A_240 = tpu.memref_slice %arg8[%dma_wait3A_238, %dma_wait3A_239] : memref<256x64xi32, #tpu.memory_space<vmem>> -> memref<64x64xi32, #tpu.memory_space<vmem>>
    %dma_wait3A_241 = arith.constant 0 : i32
    %dma_wait3A_242 = tpu.memref_slice %arg4[%add3A_69, %dma_wait3A_241] : memref<2048x64xi32, #tpu.memory_space<hbm>> -> memref<64x64xi32, #tpu.memory_space<hbm>>
    %dma_wait3A_243 = arith.constant 192 : i32
    %dma_wait3A_244 = arith.constant 0 : i32
    %dma_wait3A_245 = tpu.memref_slice %arg8[%dma_wait3A_243, %dma_wait3A_244] : memref<256x64xi32, #tpu.memory_space<vmem>> -> memref<64x64xi32, #tpu.memory_space<vmem>>
    %dma_wait3A_246 = arith.constant 0 : i32
    %dma_wait3A_247 = tpu.memref_slice %arg4[%add3A_69, %dma_wait3A_246] : memref<2048x64xi32, #tpu.memory_space<hbm>> -> memref<64x64xi32, #tpu.memory_space<hbm>>
    tpu.wait_dma2 semaphore(%arg16 : memref<!tpu.dma_semaphore, #tpu.memory_space<semaphore_mem>>) src(%dma_wait3A_247 : memref<64x64xi32, #tpu.memory_space<hbm>>) dst(%dma_wait3A_245 : memref<64x64xi32, #tpu.memory_space<vmem>>)
    %scan3A_248 = arith.constant -65536 : i32
    %scan3A_249 = arith.constant 0 : i32
    %scan3A_250 = arith.constant 0 : i32
    %scan3A_251 = arith.constant 64 : i32
    %scan3A_252 = arith.addi %scan3A_250, %scan3A_251 : i32
    %scan3A_253 = arith.constant 1 : i32
    %scan3A_254 = scf.for %scan3A_318 = %scan3A_250 to %scan3A_252 step %scan3A_253 iter_args(%scan3A_319 = %scan3A_249) -> (i32)  : i32 {
      %add3A_320 = arith.constant 192 : i32
      %add3A_321 = arith.addi %add3A_320, %scan3A_318 : i32
      %get3A = arith.index_cast %add3A_321 : i32 to index
      %get3A_322 = arith.constant 0 : index
      %get3A_323 = tpu.vector_load %arg8[%get3A, %get3A_322] {strides = array<i32>} : memref<256x64xi32, #tpu.memory_space<vmem>>, vector<1x16xi32>,
      %get3A_324 = vector.shape_cast %get3A_323 : vector<1x16xi32> to vector<16xi32>
      %shift_left3A = arith.constant 16 : i32
      %shift_left3A_325 = vector.broadcast %shift_left3A : i32 to vector<16xi32>
      %shift_left3A_326 = arith.shli %get3A_324, %shift_left3A_325 : vector<16xi32>
      %bitcast_convert_type3A = tpu.bitcast %shift_left3A_326 : vector<16xi32> -> vector<16xf32>
      %and3A_327 = vector.broadcast %scan3A_248 : i32 to vector<16xi32>
      %and3A_328 = arith.andi %get3A_324, %and3A_327 : vector<16xi32>
      %bitcast_convert_type3A_329 = tpu.bitcast %and3A_328 : vector<16xi32> -> vector<16xf32>
      %add3A_330 = arith.constant 192 : i32
      %add3A_331 = arith.addi %add3A_330, %scan3A_318 : i32
      %get3A_332 = arith.index_cast %add3A_331 : i32 to index
      %get3A_333 = arith.constant 0 : index
      %get3A_334 = tpu.vector_load %arg7[%get3A_332, %get3A_333] {strides = array<i32>} : memref<256x128xf32, #tpu.memory_space<vmem>>, vector<1x16xf32>,
      %get3A_335 = vector.shape_cast %get3A_334 : vector<1x16xf32> to vector<16xf32>
      %mul3A_336 = arith.constant 11.3137083 : f32
      %mul3A_337 = vector.broadcast %mul3A_336 : f32 to vector<16xf32>
      %mul3A_338 = arith.mulf %get3A_335, %mul3A_337 : vector<16xf32>
      %add3A_339 = arith.addf %mul3A_338, %bitcast_convert_type3A : vector<16xf32>
      %add3A_340 = arith.constant 192 : i32
      %add3A_341 = arith.addi %add3A_340, %scan3A_318 : i32
      %swap3A = arith.index_cast %add3A_341 : i32 to index
      %swap3A_342 = arith.constant 0 : index
      %swap3A_343 = tpu.vector_load %arg7[%swap3A, %swap3A_342] {strides = array<i32>} : memref<256x128xf32, #tpu.memory_space<vmem>>, vector<1x16xf32>,
      %swap3A_344 = vector.shape_cast %swap3A_343 : vector<1x16xf32> to vector<16xf32>
      %swap3A_345 = vector.shape_cast %add3A_339 : vector<16xf32> to vector<1x16xf32>
      tpu.vector_store %arg7[%swap3A, %swap3A_342], %swap3A_345 {strides = array<i32>} : memref<256x128xf32, #tpu.memory_space<vmem>>, vector<1x16xf32>,
      %add3A_346 = arith.constant 192 : i32
      %add3A_347 = arith.addi %add3A_346, %scan3A_318 : i32
      %get3A_348 = arith.index_cast %add3A_347 : i32 to index
      %get3A_349 = arith.constant 16 : index
      %get3A_350 = tpu.vector_load %arg7[%get3A_348, %get3A_349] {strides = array<i32>} : memref<256x128xf32, #tpu.memory_space<vmem>>, vector<1x16xf32>,
      %get3A_351 = vector.shape_cast %get3A_350 : vector<1x16xf32> to vector<16xf32>
      %mul3A_352 = arith.constant 11.3137083 : f32
      %mul3A_353 = vector.broadcast %mul3A_352 : f32 to vector<16xf32>
      %mul3A_354 = arith.mulf %get3A_351, %mul3A_353 : vector<16xf32>
      %add3A_355 = arith.addf %mul3A_354, %bitcast_convert_type3A_329 : vector<16xf32>
      %add3A_356 = arith.constant 192 : i32
      %add3A_357 = arith.addi %add3A_356, %scan3A_318 : i32
      %swap3A_358 = arith.index_cast %add3A_357 : i32 to index
      %swap3A_359 = arith.constant 16 : index
      %swap3A_360 = tpu.vector_load %arg7[%swap3A_358, %swap3A_359] {strides = array<i32>} : memref<256x128xf32, #tpu.memory_space<vmem>>, vector<1x16xf32>,
      %swap3A_361 = vector.shape_cast %swap3A_360 : vector<1x16xf32> to vector<16xf32>
      %swap3A_362 = vector.shape_cast %add3A_355 : vector<16xf32> to vector<1x16xf32>
      tpu.vector_store %arg7[%swap3A_358, %swap3A_359], %swap3A_362 {strides = array<i32>} : memref<256x128xf32, #tpu.memory_space<vmem>>, vector<1x16xf32>,
      %add3A_363 = arith.constant 192 : i32
      %add3A_364 = arith.addi %add3A_363, %scan3A_318 : i32
      %get3A_365 = arith.index_cast %add3A_364 : i32 to index
      %get3A_366 = arith.constant 16 : index
      %get3A_367 = tpu.vector_load %arg8[%get3A_365, %get3A_366] {strides = array<i32>} : memref<256x64xi32, #tpu.memory_space<vmem>>, vector<1x16xi32>,
      %get3A_368 = vector.shape_cast %get3A_367 : vector<1x16xi32> to vector<16xi32>
      %shift_left3A_369 = arith.constant 16 : i32
      %shift_left3A_370 = vector.broadcast %shift_left3A_369 : i32 to vector<16xi32>
      %shift_left3A_371 = arith.shli %get3A_368, %shift_left3A_370 : vector<16xi32>
      %bitcast_convert_type3A_372 = tpu.bitcast %shift_left3A_371 : vector<16xi32> -> vector<16xf32>
      %and3A_373 = vector.broadcast %scan3A_248 : i32 to vector<16xi32>
      %and3A_374 = arith.andi %get3A_368, %and3A_373 : vector<16xi32>
      %bitcast_convert_type3A_375 = tpu.bitcast %and3A_374 : vector<16xi32> -> vector<16xf32>
      %add3A_376 = arith.constant 192 : i32
      %add3A_377 = arith.addi %add3A_376, %scan3A_318 : i32
      %get3A_378 = arith.index_cast %add3A_377 : i32 to index
      %get3A_379 = arith.constant 32 : index
      %get3A_380 = tpu.vector_load %arg7[%get3A_378, %get3A_379] {strides = array<i32>} : memref<256x128xf32, #tpu.memory_space<vmem>>, vector<1x16xf32>,
      %get3A_381 = vector.shape_cast %get3A_380 : vector<1x16xf32> to vector<16xf32>
      %mul3A_382 = arith.constant 11.3137083 : f32
      %mul3A_383 = vector.broadcast %mul3A_382 : f32 to vector<16xf32>
      %mul3A_384 = arith.mulf %get3A_381, %mul3A_383 : vector<16xf32>
      %add3A_385 = arith.addf %mul3A_384, %bitcast_convert_type3A_372 : vector<16xf32>
      %add3A_386 = arith.constant 192 : i32
      %add3A_387 = arith.addi %add3A_386, %scan3A_318 : i32
      %swap3A_388 = arith.index_cast %add3A_387 : i32 to index
      %swap3A_389 = arith.constant 32 : index
      %swap3A_390 = tpu.vector_load %arg7[%swap3A_388, %swap3A_389] {strides = array<i32>} : memref<256x128xf32, #tpu.memory_space<vmem>>, vector<1x16xf32>,
      %swap3A_391 = vector.shape_cast %swap3A_390 : vector<1x16xf32> to vector<16xf32>
      %swap3A_392 = vector.shape_cast %add3A_385 : vector<16xf32> to vector<1x16xf32>
      tpu.vector_store %arg7[%swap3A_388, %swap3A_389], %swap3A_392 {strides = array<i32>} : memref<256x128xf32, #tpu.memory_space<vmem>>, vector<1x16xf32>,
      %add3A_393 = arith.constant 192 : i32
      %add3A_394 = arith.addi %add3A_393, %scan3A_318 : i32
      %get3A_395 = arith.index_cast %add3A_394 : i32 to index
      %get3A_396 = arith.constant 48 : index
      %get3A_397 = tpu.vector_load %arg7[%get3A_395, %get3A_396] {strides = array<i32>} : memref<256x128xf32, #tpu.memory_space<vmem>>, vector<1x16xf32>,
      %get3A_398 = vector.shape_cast %get3A_397 : vector<1x16xf32> to vector<16xf32>
      %mul3A_399 = arith.constant 11.3137083 : f32
      %mul3A_400 = vector.broadcast %mul3A_399 : f32 to vector<16xf32>
      %mul3A_401 = arith.mulf %get3A_398, %mul3A_400 : vector<16xf32>
      %add3A_402 = arith.addf %mul3A_401, %bitcast_convert_type3A_375 : vector<16xf32>
      %add3A_403 = arith.constant 192 : i32
      %add3A_404 = arith.addi %add3A_403, %scan3A_318 : i32
      %swap3A_405 = arith.index_cast %add3A_404 : i32 to index
      %swap3A_406 = arith.constant 48 : index
      %swap3A_407 = tpu.vector_load %arg7[%swap3A_405, %swap3A_406] {strides = array<i32>} : memref<256x128xf32, #tpu.memory_space<vmem>>, vector<1x16xf32>,
      %swap3A_408 = vector.shape_cast %swap3A_407 : vector<1x16xf32> to vector<16xf32>
      %swap3A_409 = vector.shape_cast %add3A_402 : vector<16xf32> to vector<1x16xf32>
      tpu.vector_store %arg7[%swap3A_405, %swap3A_406], %swap3A_409 {strides = array<i32>} : memref<256x128xf32, #tpu.memory_space<vmem>>, vector<1x16xf32>,
      %add3A_410 = arith.constant 192 : i32
      %add3A_411 = arith.addi %add3A_410, %scan3A_318 : i32
      %get3A_412 = arith.index_cast %add3A_411 : i32 to index
      %get3A_413 = arith.constant 32 : index
      %get3A_414 = tpu.vector_load %arg8[%get3A_412, %get3A_413] {strides = array<i32>} : memref<256x64xi32, #tpu.memory_space<vmem>>, vector<1x16xi32>,
      %get3A_415 = vector.shape_cast %get3A_414 : vector<1x16xi32> to vector<16xi32>
      %shift_left3A_416 = arith.constant 16 : i32
      %shift_left3A_417 = vector.broadcast %shift_left3A_416 : i32 to vector<16xi32>
      %shift_left3A_418 = arith.shli %get3A_415, %shift_left3A_417 : vector<16xi32>
      %bitcast_convert_type3A_419 = tpu.bitcast %shift_left3A_418 : vector<16xi32> -> vector<16xf32>
      %and3A_420 = vector.broadcast %scan3A_248 : i32 to vector<16xi32>
      %and3A_421 = arith.andi %get3A_415, %and3A_420 : vector<16xi32>
      %bitcast_convert_type3A_422 = tpu.bitcast %and3A_421 : vector<16xi32> -> vector<16xf32>
      %add3A_423 = arith.constant 192 : i32
      %add3A_424 = arith.addi %add3A_423, %scan3A_318 : i32
      %get3A_425 = arith.index_cast %add3A_424 : i32 to index
      %get3A_426 = arith.constant 64 : index
      %get3A_427 = tpu.vector_load %arg7[%get3A_425, %get3A_426] {strides = array<i32>} : memref<256x128xf32, #tpu.memory_space<vmem>>, vector<1x16xf32>,
      %get3A_428 = vector.shape_cast %get3A_427 : vector<1x16xf32> to vector<16xf32>
      %mul3A_429 = arith.constant 11.3137083 : f32
      %mul3A_430 = vector.broadcast %mul3A_429 : f32 to vector<16xf32>
      %mul3A_431 = arith.mulf %get3A_428, %mul3A_430 : vector<16xf32>
      %add3A_432 = arith.addf %mul3A_431, %bitcast_convert_type3A_419 : vector<16xf32>
      %add3A_433 = arith.constant 192 : i32
      %add3A_434 = arith.addi %add3A_433, %scan3A_318 : i32
      %swap3A_435 = arith.index_cast %add3A_434 : i32 to index
      %swap3A_436 = arith.constant 64 : index
      %swap3A_437 = tpu.vector_load %arg7[%swap3A_435, %swap3A_436] {strides = array<i32>} : memref<256x128xf32, #tpu.memory_space<vmem>>, vector<1x16xf32>,
      %swap3A_438 = vector.shape_cast %swap3A_437 : vector<1x16xf32> to vector<16xf32>
      %swap3A_439 = vector.shape_cast %add3A_432 : vector<16xf32> to vector<1x16xf32>
      tpu.vector_store %arg7[%swap3A_435, %swap3A_436], %swap3A_439 {strides = array<i32>} : memref<256x128xf32, #tpu.memory_space<vmem>>, vector<1x16xf32>,
      %add3A_440 = arith.constant 192 : i32
      %add3A_441 = arith.addi %add3A_440, %scan3A_318 : i32
      %get3A_442 = arith.index_cast %add3A_441 : i32 to index
      %get3A_443 = arith.constant 80 : index
      %get3A_444 = tpu.vector_load %arg7[%get3A_442, %get3A_443] {strides = array<i32>} : memref<256x128xf32, #tpu.memory_space<vmem>>, vector<1x16xf32>,
      %get3A_445 = vector.shape_cast %get3A_444 : vector<1x16xf32> to vector<16xf32>
      %mul3A_446 = arith.constant 11.3137083 : f32
      %mul3A_447 = vector.broadcast %mul3A_446 : f32 to vector<16xf32>
      %mul3A_448 = arith.mulf %get3A_445, %mul3A_447 : vector<16xf32>
      %add3A_449 = arith.addf %mul3A_448, %bitcast_convert_type3A_422 : vector<16xf32>
      %add3A_450 = arith.constant 192 : i32
      %add3A_451 = arith.addi %add3A_450, %scan3A_318 : i32
      %swap3A_452 = arith.index_cast %add3A_451 : i32 to index
      %swap3A_453 = arith.constant 80 : index
      %swap3A_454 = tpu.vector_load %arg7[%swap3A_452, %swap3A_453] {strides = array<i32>} : memref<256x128xf32, #tpu.memory_space<vmem>>, vector<1x16xf32>,
      %swap3A_455 = vector.shape_cast %swap3A_454 : vector<1x16xf32> to vector<16xf32>
      %swap3A_456 = vector.shape_cast %add3A_449 : vector<16xf32> to vector<1x16xf32>
      tpu.vector_store %arg7[%swap3A_452, %swap3A_453], %swap3A_456 {strides = array<i32>} : memref<256x128xf32, #tpu.memory_space<vmem>>, vector<1x16xf32>,
      %add3A_457 = arith.constant 192 : i32
      %add3A_458 = arith.addi %add3A_457, %scan3A_318 : i32
      %get3A_459 = arith.index_cast %add3A_458 : i32 to index
      %get3A_460 = arith.constant 48 : index
      %get3A_461 = tpu.vector_load %arg8[%get3A_459, %get3A_460] {strides = array<i32>} : memref<256x64xi32, #tpu.memory_space<vmem>>, vector<1x16xi32>,
      %get3A_462 = vector.shape_cast %get3A_461 : vector<1x16xi32> to vector<16xi32>
      %shift_left3A_463 = arith.constant 16 : i32
      %shift_left3A_464 = vector.broadcast %shift_left3A_463 : i32 to vector<16xi32>
      %shift_left3A_465 = arith.shli %get3A_462, %shift_left3A_464 : vector<16xi32>
      %bitcast_convert_type3A_466 = tpu.bitcast %shift_left3A_465 : vector<16xi32> -> vector<16xf32>
      %and3A_467 = vector.broadcast %scan3A_248 : i32 to vector<16xi32>
      %and3A_468 = arith.andi %get3A_462, %and3A_467 : vector<16xi32>
      %bitcast_convert_type3A_469 = tpu.bitcast %and3A_468 : vector<16xi32> -> vector<16xf32>
      %add3A_470 = arith.constant 192 : i32
      %add3A_471 = arith.addi %add3A_470, %scan3A_318 : i32
      %get3A_472 = arith.index_cast %add3A_471 : i32 to index
      %get3A_473 = arith.constant 96 : index
      %get3A_474 = tpu.vector_load %arg7[%get3A_472, %get3A_473] {strides = array<i32>} : memref<256x128xf32, #tpu.memory_space<vmem>>, vector<1x16xf32>,
      %get3A_475 = vector.shape_cast %get3A_474 : vector<1x16xf32> to vector<16xf32>
      %mul3A_476 = arith.constant 11.3137083 : f32
      %mul3A_477 = vector.broadcast %mul3A_476 : f32 to vector<16xf32>
      %mul3A_478 = arith.mulf %get3A_475, %mul3A_477 : vector<16xf32>
      %add3A_479 = arith.addf %mul3A_478, %bitcast_convert_type3A_466 : vector<16xf32>
      %add3A_480 = arith.constant 192 : i32
      %add3A_481 = arith.addi %add3A_480, %scan3A_318 : i32
      %swap3A_482 = arith.index_cast %add3A_481 : i32 to index
      %swap3A_483 = arith.constant 96 : index
      %swap3A_484 = tpu.vector_load %arg7[%swap3A_482, %swap3A_483] {strides = array<i32>} : memref<256x128xf32, #tpu.memory_space<vmem>>, vector<1x16xf32>,
      %swap3A_485 = vector.shape_cast %swap3A_484 : vector<1x16xf32> to vector<16xf32>
      %swap3A_486 = vector.shape_cast %add3A_479 : vector<16xf32> to vector<1x16xf32>
      tpu.vector_store %arg7[%swap3A_482, %swap3A_483], %swap3A_486 {strides = array<i32>} : memref<256x128xf32, #tpu.memory_space<vmem>>, vector<1x16xf32>,
      %add3A_487 = arith.constant 192 : i32
      %add3A_488 = arith.addi %add3A_487, %scan3A_318 : i32
      %get3A_489 = arith.index_cast %add3A_488 : i32 to index
      %get3A_490 = arith.constant 112 : index
      %get3A_491 = tpu.vector_load %arg7[%get3A_489, %get3A_490] {strides = array<i32>} : memref<256x128xf32, #tpu.memory_space<vmem>>, vector<1x16xf32>,
      %get3A_492 = vector.shape_cast %get3A_491 : vector<1x16xf32> to vector<16xf32>
      %mul3A_493 = arith.constant 11.3137083 : f32
      %mul3A_494 = vector.broadcast %mul3A_493 : f32 to vector<16xf32>
      %mul3A_495 = arith.mulf %get3A_492, %mul3A_494 : vector<16xf32>
      %add3A_496 = arith.addf %mul3A_495, %bitcast_convert_type3A_469 : vector<16xf32>
      %add3A_497 = arith.constant 192 : i32
      %add3A_498 = arith.addi %add3A_497, %scan3A_318 : i32
      %swap3A_499 = arith.index_cast %add3A_498 : i32 to index
      %swap3A_500 = arith.constant 112 : index
      %swap3A_501 = tpu.vector_load %arg7[%swap3A_499, %swap3A_500] {strides = array<i32>} : memref<256x128xf32, #tpu.memory_space<vmem>>, vector<1x16xf32>,
      %swap3A_502 = vector.shape_cast %swap3A_501 : vector<1x16xf32> to vector<16xf32>
      %swap3A_503 = vector.shape_cast %add3A_496 : vector<16xf32> to vector<1x16xf32>
      tpu.vector_store %arg7[%swap3A_499, %swap3A_500], %swap3A_503 {strides = array<i32>} : memref<256x128xf32, #tpu.memory_space<vmem>>, vector<1x16xf32>,
      %scan3A_504 = arith.constant 0 : i32
      scf.yield %scan3A_504 : i32
    }
    %scan3A_255 = arith.constant 64 : i32
    %add3A_256 = arith.constant 192 : i32
    %add3A_257 = arith.addi %mul3A_32, %add3A_256 : i32
    %dma_start3A_258 = arith.constant 192 : i32
    %dma_start3A_259 = arith.constant 0 : i32
    %dma_start3A_260 = tpu.memref_slice %arg7[%dma_start3A_258, %dma_start3A_259] : memref<256x128xf32, #tpu.memory_space<vmem>> -> memref<64x128xf32, #tpu.memory_space<vmem>>
    %dma_start3A_261 = arith.constant 0 : i32
    %dma_start3A_262 = tpu.memref_slice %arg5[%select_n3A, %add3A_257, %dma_start3A_261] : memref<4x2048x128xf32, #tpu.memory_space<hbm>> -> memref<1x64x128xf32, #tpu.memory_space<hbm>>
    %dma_start3A_263 = tpu.memref_squeeze %dma_start3A_262 : memref<1x64x128xf32, #tpu.memory_space<hbm>> -> memref<64x128xf32, #tpu.memory_space<hbm>>
    %dma_start3A_264 = arith.constant 0 : i32
    %dma_start3A_265 = tpu.memref_slice %arg5[%select_n3A, %add3A_257, %dma_start3A_264] : memref<4x2048x128xf32, #tpu.memory_space<hbm>> -> memref<1x64x128xf32, #tpu.memory_space<hbm>>
    %dma_start3A_266 = tpu.memref_squeeze %dma_start3A_265 : memref<1x64x128xf32, #tpu.memory_space<hbm>> -> memref<64x128xf32, #tpu.memory_space<hbm>>
    %dma_start3A_267 = arith.constant 192 : i32
    %dma_start3A_268 = arith.constant 0 : i32
    %dma_start3A_269 = tpu.memref_slice %arg7[%dma_start3A_267, %dma_start3A_268] : memref<256x128xf32, #tpu.memory_space<vmem>> -> memref<64x128xf32, #tpu.memory_space<vmem>>
    tpu.enqueue_dma source(%dma_start3A_269 : memref<64x128xf32, #tpu.memory_space<vmem>>) target(%dma_start3A_266 : memref<64x128xf32, #tpu.memory_space<hbm>>) target_semaphore(%arg17 : memref<!tpu.dma_semaphore, #tpu.memory_space<semaphore_mem>>)
    %dma_wait3A_270 = arith.constant 0 : i32
    %dma_wait3A_271 = arith.constant 0 : i32
    %dma_wait3A_272 = tpu.memref_slice %arg7[%dma_wait3A_270, %dma_wait3A_271] : memref<256x128xf32, #tpu.memory_space<vmem>> -> memref<64x128xf32, #tpu.memory_space<vmem>>
    %dma_wait3A_273 = arith.constant 0 : i32
    %dma_wait3A_274 = tpu.memref_slice %arg5[%select_n3A, %add3A_137, %dma_wait3A_273] : memref<4x2048x128xf32, #tpu.memory_space<hbm>> -> memref<1x64x128xf32, #tpu.memory_space<hbm>>
    %dma_wait3A_275 = tpu.memref_squeeze %dma_wait3A_274 : memref<1x64x128xf32, #tpu.memory_space<hbm>> -> memref<64x128xf32, #tpu.memory_space<hbm>>
    %dma_wait3A_276 = arith.constant 0 : i32
    %dma_wait3A_277 = tpu.memref_slice %arg5[%select_n3A, %add3A_137, %dma_wait3A_276] : memref<4x2048x128xf32, #tpu.memory_space<hbm>> -> memref<1x64x128xf32, #tpu.memory_space<hbm>>
    %dma_wait3A_278 = tpu.memref_squeeze %dma_wait3A_277 : memref<1x64x128xf32, #tpu.memory_space<hbm>> -> memref<64x128xf32, #tpu.memory_space<hbm>>
    %dma_wait3A_279 = arith.constant 0 : i32
    %dma_wait3A_280 = arith.constant 0 : i32
    %dma_wait3A_281 = tpu.memref_slice %arg7[%dma_wait3A_279, %dma_wait3A_280] : memref<256x128xf32, #tpu.memory_space<vmem>> -> memref<64x128xf32, #tpu.memory_space<vmem>>
    tpu.wait_dma2 semaphore(%arg17 : memref<!tpu.dma_semaphore, #tpu.memory_space<semaphore_mem>>) src(%dma_wait3A_281 : memref<64x128xf32, #tpu.memory_space<vmem>>) dst(%dma_wait3A_278 : memref<64x128xf32, #tpu.memory_space<hbm>>)
    %dma_wait3A_282 = arith.constant 64 : i32
    %dma_wait3A_283 = arith.constant 0 : i32
    %dma_wait3A_284 = tpu.memref_slice %arg7[%dma_wait3A_282, %dma_wait3A_283] : memref<256x128xf32, #tpu.memory_space<vmem>> -> memref<64x128xf32, #tpu.memory_space<vmem>>
    %dma_wait3A_285 = arith.constant 0 : i32
    %dma_wait3A_286 = tpu.memref_slice %arg5[%select_n3A, %add3A_177, %dma_wait3A_285] : memref<4x2048x128xf32, #tpu.memory_space<hbm>> -> memref<1x64x128xf32, #tpu.memory_space<hbm>>
    %dma_wait3A_287 = tpu.memref_squeeze %dma_wait3A_286 : memref<1x64x128xf32, #tpu.memory_space<hbm>> -> memref<64x128xf32, #tpu.memory_space<hbm>>
    %dma_wait3A_288 = arith.constant 0 : i32
    %dma_wait3A_289 = tpu.memref_slice %arg5[%select_n3A, %add3A_177, %dma_wait3A_288] : memref<4x2048x128xf32, #tpu.memory_space<hbm>> -> memref<1x64x128xf32, #tpu.memory_space<hbm>>
    %dma_wait3A_290 = tpu.memref_squeeze %dma_wait3A_289 : memref<1x64x128xf32, #tpu.memory_space<hbm>> -> memref<64x128xf32, #tpu.memory_space<hbm>>
    %dma_wait3A_291 = arith.constant 64 : i32
    %dma_wait3A_292 = arith.constant 0 : i32
    %dma_wait3A_293 = tpu.memref_slice %arg7[%dma_wait3A_291, %dma_wait3A_292] : memref<256x128xf32, #tpu.memory_space<vmem>> -> memref<64x128xf32, #tpu.memory_space<vmem>>
    tpu.wait_dma2 semaphore(%arg17 : memref<!tpu.dma_semaphore, #tpu.memory_space<semaphore_mem>>) src(%dma_wait3A_293 : memref<64x128xf32, #tpu.memory_space<vmem>>) dst(%dma_wait3A_290 : memref<64x128xf32, #tpu.memory_space<hbm>>)
    %dma_wait3A_294 = arith.constant 128 : i32
    %dma_wait3A_295 = arith.constant 0 : i32
    %dma_wait3A_296 = tpu.memref_slice %arg7[%dma_wait3A_294, %dma_wait3A_295] : memref<256x128xf32, #tpu.memory_space<vmem>> -> memref<64x128xf32, #tpu.memory_space<vmem>>
    %dma_wait3A_297 = arith.constant 0 : i32
    %dma_wait3A_298 = tpu.memref_slice %arg5[%select_n3A, %add3A_217, %dma_wait3A_297] : memref<4x2048x128xf32, #tpu.memory_space<hbm>> -> memref<1x64x128xf32, #tpu.memory_space<hbm>>
    %dma_wait3A_299 = tpu.memref_squeeze %dma_wait3A_298 : memref<1x64x128xf32, #tpu.memory_space<hbm>> -> memref<64x128xf32, #tpu.memory_space<hbm>>
    %dma_wait3A_300 = arith.constant 0 : i32
    %dma_wait3A_301 = tpu.memref_slice %arg5[%select_n3A, %add3A_217, %dma_wait3A_300] : memref<4x2048x128xf32, #tpu.memory_space<hbm>> -> memref<1x64x128xf32, #tpu.memory_space<hbm>>
    %dma_wait3A_302 = tpu.memref_squeeze %dma_wait3A_301 : memref<1x64x128xf32, #tpu.memory_space<hbm>> -> memref<64x128xf32, #tpu.memory_space<hbm>>
    %dma_wait3A_303 = arith.constant 128 : i32
    %dma_wait3A_304 = arith.constant 0 : i32
    %dma_wait3A_305 = tpu.memref_slice %arg7[%dma_wait3A_303, %dma_wait3A_304] : memref<256x128xf32, #tpu.memory_space<vmem>> -> memref<64x128xf32, #tpu.memory_space<vmem>>
    tpu.wait_dma2 semaphore(%arg17 : memref<!tpu.dma_semaphore, #tpu.memory_space<semaphore_mem>>) src(%dma_wait3A_305 : memref<64x128xf32, #tpu.memory_space<vmem>>) dst(%dma_wait3A_302 : memref<64x128xf32, #tpu.memory_space<hbm>>)
    %dma_wait3A_306 = arith.constant 192 : i32
    %dma_wait3A_307 = arith.constant 0 : i32
    %dma_wait3A_308 = tpu.memref_slice %arg7[%dma_wait3A_306, %dma_wait3A_307] : memref<256x128xf32, #tpu.memory_space<vmem>> -> memref<64x128xf32, #tpu.memory_space<vmem>>
    %dma_wait3A_309 = arith.constant 0 : i32
    %dma_wait3A_310 = tpu.memref_slice %arg5[%select_n3A, %add3A_257, %dma_wait3A_309] : memref<4x2048x128xf32, #tpu.memory_space<hbm>> -> memref<1x64x128xf32, #tpu.memory_space<hbm>>
    %dma_wait3A_311 = tpu.memref_squeeze %dma_wait3A_310 : memref<1x64x128xf32, #tpu.memory_space<hbm>> -> memref<64x128xf32, #tpu.memory_space<hbm>>
    %dma_wait3A_312 = arith.constant 0 : i32
    %dma_wait3A_313 = tpu.memref_slice %arg5[%select_n3A, %add3A_257, %dma_wait3A_312] : memref<4x2048x128xf32, #tpu.memory_space<hbm>> -> memref<1x64x128xf32, #tpu.memory_space<hbm>>
    %dma_wait3A_314 = tpu.memref_squeeze %dma_wait3A_313 : memref<1x64x128xf32, #tpu.memory_space<hbm>> -> memref<64x128xf32, #tpu.memory_space<hbm>>
    %dma_wait3A_315 = arith.constant 192 : i32
    %dma_wait3A_316 = arith.constant 0 : i32
    %dma_wait3A_317 = tpu.memref_slice %arg7[%dma_wait3A_315, %dma_wait3A_316] : memref<256x128xf32, #tpu.memory_space<vmem>> -> memref<64x128xf32, #tpu.memory_space<vmem>>
    tpu.wait_dma2 semaphore(%arg17 : memref<!tpu.dma_semaphore, #tpu.memory_space<semaphore_mem>>) src(%dma_wait3A_317 : memref<64x128xf32, #tpu.memory_space<vmem>>) dst(%dma_wait3A_314 : memref<64x128xf32, #tpu.memory_space<hbm>>)
    return
  }
}

</mosaic_0001>

<sc_bundles>
// kernel: kernel.3.cloned.1.call-start
scs
__scs_entry_jumppad:
0x0: {  	(pc) =	sbr.rel $0x88, $3  }
0x1: {  	(tag) =	ssettag $0x0;
	lr =	simm.s32 $0x1  }
0x2: {  	[smem:$0x3F9F] =	sst lr;
	_ =	strace $0xD0000000  }
0x3: {  	_ = 	snop  }
0x4: {  	_ = 	snop  }
0x5: {  	_ = 	snop  }
0x6: {  	_ = 	snop  }
0x7: {  	_ = 	snop  }
__scs_overlays_trampoline_lowered:
0x8: {  	[smem:$0x3FAE] =	sst s0  }
0x9: {  	[smem:$0x3FAF] =	sst s1  }
0xa: {  	[smem:$0x3FB0] =	sst s2  }
0xb: {  	[smem:$0x3FB1] =	sst s3  }
0xc: {  	[smem:$0x3FB2] =	sst s4  }
0xd: {  	[smem:$0x3FB3] =	sst s5  }
0xe: {  	[smem:$0x3FB4] =	sst s6  }
0xf: {  	[smem:$0x3FB5] =	sst s7  }
0x10: {  	[smem:$0x3FB6] =	sst s8  }
0x11: {  	[smem:$0x3FB7] =	sst s9;
	s0 =	simm.s32 @!p0 $0x0  }
0x12: {  	s1 =	sld [smem:$0x3F9D];
	s0 =	simm.s32 @p0 $0x1  }
0x13: {  	[smem:$0x3FB8] =	sst s0;
	s0 =	simm.s32 @!p1 $0x0  }
0x14: {  	s2 =	sld [smem:$0x3F9C];
	s0 =	simm.s32 @p1 $0x1  }
0x15: {  	[smem:$0x3FB9] =	sst s0;
	s0 =	simm.s32 @!p2 $0x0  }
0x16: {  	s3 =	sld [smem:$0x3FDB];
	s0 =	simm.s32 @p2 $0x1  }
0x17: {  	s4 =	simm.s32 $0x1BF5;
	[smem:$0x3FBB] =	sst s0  }
0x18: {  	s0 =	sld [smem:$0x3F9E];
	_ =	swait.ge [sflag:s4], $0x0  }
0x19: {  	s7 =	sld [smem:$0x3F9F]  }
0x1a: {  	s8 =	sadd.s32 $0xFFFFE003, lr  }
0x1b: {  	s9 =	sadd.s32 $0xFFFFFEF7, lr;
	s5 =	simm.s32 $0xFFFFFFFF;
	p2 =	slt.u32 s8, $0xFFFFF086  }
0x1c: {  	p1 =	slt.u32 s9, $0xF7A;
	s5 =	simm.s32 @!p2 $0x0  }
0x1d: {  	s5 =	simm.s32 @p1 $0x1;
	p0 =	seq.s32 s7, s2  }
0x1e: {  	s7 =	smul.u32 @!p0 $0xF7A, s2;
	p2 =	seq.s32 @!p0 s5, $0x0  }
0x1f: {  	s9 =	smul.u32 $0xF7A, s1;
	s8 =	simm.s32 @!p0 $0x1BF5;
	p2 =	por !p2, p0  }
0x20: {  	[sflag:s8] =	ssyncset.s32 @!p0 $0xFFFFF086;
	s6 =	sadd.s32 @!p0 s3, s7;
	s7 =	simm.s32 @!p0 $0x108  }
0x21: {  	s3 =	sadd.s32 s3, s9;
	s6 =	sadd.s32 @!p0 $0x88, s6;
	s7 =	simm.s32 @p2 $0x1082  }
0x22: {  	[simem:s7], [sflag:s8] =	dma.local @!p0 [hbm:s6], $0xF7A  }
0x23: {  	s9 =	sor.u32 $0xD0000000, s2;
	s6 =	simm.s32 $0x108;
	_ =	swait.ge @!p0 [sflag:s8], $0x0  }
0x24: {  	s3 =	sadd.s32 $0x88, s3;
	s6 =	simm.s32 @!p1 $0x1082;
	[sflag:s4] =	ssyncset.s32 $0xFFFFF086  }
0x25: {  	[simem:s6], [sflag:s4] =	dma.local [hbm:s3], $0xF7A  }
0x26: {  	[smem:$0x3F9F] =	sst s1;
	(tag) =	ssettag s2;
	_ =	strace s9  }
0x27: {  	s1 =	sld [smem:$0x3FAF]  }
0x28: {  	s2 =	sld [smem:$0x3FB0]  }
0x29: {  	s4 =	sld [smem:$0x3FB2]  }
0x2a: {  	p0 =	seq.s32 s5, $0x0;
	s5 =	sld [smem:$0x3FB3]  }
0x2b: {  	s6 =	sld [smem:$0x3FB4]  }
0x2c: {  	s7 =	sld [smem:$0x3FB5]  }
0x2d: {  	s3 =	simm.s32 $0x108;
	s8 =	sld [smem:$0x3FB6]  }
0x2e: {  	s3 =	simm.s32 @!p0 $0x1082;
	s9 =	sld [smem:$0x3FB7]  }
0x2f: {  	lr =	sadd.s32 s0, s3;
	s0 =	sld [smem:$0x3FAE]  }
0x30: {  	s3 =	sld [smem:$0x3FB1]  }
0x31: {  	[smem:$0x3FBA] =	sst s10  }
0x32: {  	s10 =	sld [smem:$0x3FB8];
	_ =	sdelay $0x3  }
0x33: {  	p0 =	seq.s32 s10, $0x1;
	s10 =	sld [smem:$0x3FBA];
	_ =	sdelay $0x3  }
0x34: {  	[smem:$0x3FBA] =	sst s10  }
0x35: {  	s10 =	sld [smem:$0x3FB9];
	_ =	sdelay $0x3  }
0x36: {  	p1 =	seq.s32 s10, $0x1;
	s10 =	sld [smem:$0x3FBA];
	_ =	sdelay $0x3  }
0x37: {  	[smem:$0x3FBA] =	sst s10  }
0x38: {  	s10 =	sld [smem:$0x3FBB]  }
0x39: {  	_ = 	snop;
	(pc) =	sbr.ind lr, $3  }
0x3a: {  	_ = 	snop  }
0x3b: {  	_ = 	snop  }
0x3c: {  	p2 =	seq.s32 s10, $0x1;
	s10 =	sld [smem:$0x3FBA]  }
0x3d: {  	_ =	shalt  }
0x3e: {  	_ =	shalt  }
0x3f: {  	_ =	shalt  }
0x40: {  	_ =	shalt  }
0x41: {  	_ =	shalt  }
0x42: {  	_ =	shalt  }
0x43: {  	_ =	shalt  }
0x44: {  	_ =	shalt  }
0x45: {  	_ =	shalt  }
0x46: {  	_ =	shalt  }
0x47: {  	_ =	shalt  }
0x48: {  	_ =	shalt  }
0x49: {  	_ =	shalt  }
0x4a: {  	_ =	shalt  }
0x4b: {  	_ =	shalt  }
0x4c: {  	_ =	shalt  }
0x4d: {  	_ =	shalt  }
0x4e: {  	_ =	shalt  }
0x4f: {  	_ =	shalt  }
0x50: {  	_ =	shalt  }
0x51: {  	_ =	shalt  }
0x52: {  	_ =	shalt  }
0x53: {  	_ =	shalt  }
0x54: {  	_ =	shalt  }
0x55: {  	_ =	shalt  }
0x56: {  	_ =	shalt  }
0x57: {  	_ =	shalt  }
0x58: {  	_ =	shalt  }
0x59: {  	_ =	shalt  }
0x5a: {  	_ =	shalt  }
0x5b: {  	_ =	shalt  }
0x5c: {  	_ =	shalt  }
0x5d: {  	_ =	shalt  }
0x5e: {  	_ =	shalt  }
0x5f: {  	_ =	shalt  }
0x60: {  	_ =	shalt  }
0x61: {  	_ =	shalt  }
0x62: {  	_ =	shalt  }
0x63: {  	_ =	shalt  }
0x64: {  	_ =	shalt  }
0x65: {  	_ =	shalt  }
0x66: {  	_ =	shalt  }
0x67: {  	_ =	shalt  }
0x68: {  	_ =	shalt  }
0x69: {  	_ =	shalt  }
0x6a: {  	_ =	shalt  }
0x6b: {  	_ =	shalt  }
0x6c: {  	_ =	shalt  }
0x6d: {  	_ =	shalt  }
0x6e: {  	_ =	shalt  }
0x6f: {  	_ =	shalt  }
0x70: {  	_ =	shalt  }
0x71: {  	_ =	shalt  }
0x72: {  	_ =	shalt  }
0x73: {  	_ =	shalt  }
0x74: {  	_ =	shalt  }
0x75: {  	_ =	shalt  }
0x76: {  	_ =	shalt  }
0x77: {  	_ =	shalt  }
0x78: {  	_ =	shalt  }
0x79: {  	_ =	shalt  }
0x7a: {  	_ =	shalt  }
0x7b: {  	_ =	shalt  }
0x7c: {  	_ =	shalt  }
0x7d: {  	_ =	shalt  }
0x7e: {  	_ =	shalt  }
0x7f: {  	_ =	shalt  }
0x80: {  	_ =	shalt  }
0x81: {  	_ =	shalt  }
0x82: {  	_ =	shalt  }
0x83: {  	_ =	shalt  }
0x84: {  	_ =	shalt  }
0x85: {  	_ =	shalt  }
0x86: {  	_ =	shalt  }
0x87: {  	_ =	shalt  }
.Lfunc_end0:
.L_simem_size_0:
called_computation_lowered:
.L_overlay_start_0:
0x88: {  	s2 =	sld [smem:$0x3FD9]  }
0x89: {  	s3 =	sld [smem:$0x3FFE];
	_ =	sdelay $0x1  }
0x8a: {  	s1 =	srdreg.scid  }
0x8b: {  	s0 =	sand.u32 $0x1, s1  }
0x8c: {  	s17 =	sshll.u32 s0, $0xA;
	s2 =	sadd.s32 s3, s2  }
0x8d: {  	s2 =	sadd.s32 s2, s17  }
0x8e: {  	[smem:$0x3FC6] =	sst s2  }
0x8f: {  	_ = 	snop  }
0x90: {  	s2 =	sld [smem:$0x3FC9]  }
0x91: {  	s18 =	sld [smem:$0x3FC8]  }
0x92: {  	s4 =	sld [smem:$0x3FD0];
	(tm) =	ssettm $0x1  }
0x93: {  	s5 =	sld [smem:$0x3FFB];
	_ =	sdelay $0x3  }
0x94: {  	_ =	strace s5  }
0x95: {  	s5 =	sld [smem:$0x3FFC];
	_ =	sdelay $0x3  }
0x96: {  	_ =	strace s5  }
0x97: {  	s5 =	sld [smem:$0x3FFD];
	_ =	sdelay $0x3  }
0x98: {  	_ =	strace s5  }
0x99: {  	_ =	strace $0x8FFFFFFF  }
0x9a: {  	s19 =	sld [smem:$0x3FDB];
	_ =	sdelay $0x1  }
0x9b: {  	s6 =	simm.s32 $_scs_section_size  }
0x9c: {  	s7 =	simm.s32 $_size__tile_overlayer_lowered;
	s8 =	simm.s32 $_tile_overlayer_lowered  }
0x9d: {  	s22 =	simm.s32 $0x1BFF;
	s21 =	sshll.u32 s8, $0x1;
	s5 =	sadd.s32 s6, s19  }
0x9e: {  	s9 =	simm.s32 $0x0;
	s20 =	sshll.u32 s7, $0x1;
	s7 =	sadd.s32 s21, s5  }
0x9f: {  	[timem:s9], [sflag:s22] =	dma.local [hbm:s7], s20  }
0xa0: {  	_ =	swait.ge [sflag:s22], s20  }
0xa1: {  	s6 =	ssub.s32 $0x0, s20;
	[sflag:s22] =	ssyncset.done $0x0  }
0xa2: {  	[sflag:s22] =	ssyncadd.s32 s6;
	_ =	sdelay $0x1  }
0xa3: {  	s23 =	simm.s32 $0x1B8B  }
0xa4: {  	_ =	swait.ge [sflag:s23], $0x1  }
0xa5: {  	[sflag:s23] =	ssyncset.done $0x0  }
0xa6: {  	s25 =	simm.s32 $0x1B8E;
	s24 =	sld [smem:$0x3FFE];
	[sflag:s23] =	ssyncadd.s32 $0xFFFFFFFF  }
0xa7: {  	s26 =	simm.s32 $execute0_lowered;
	[smem:$0x3FD2] =	sst s25  }
0xa8: {  	s7 =	sshll.u32 s26, $0x1;
	_ =	strace $0x80000046;
	[dreg:$0x1] =	wrdreg $0xFFFFFFFF  }
0xa9: {  	s28 =	simm.s32 $_size_execute0_lowered;
	s5 =	sadd.s32 s5, s7;
	[dreg:$0x0] =	wrdreg $0x0  }
0xaa: {  	s7 =	sshll.u32 s28, $0x1;
	[dreg:$0x2] =	wrdreg s5  }
0xab: {  	[dreg:$0x3] =	wrdreg s7  }
0xac: {  	[dreg:$0x4] =	wrdreg $0xC0  }
0xad: {  	_ =	task [dreg:s9], $0x5FFFF  }
0xae: {  	[dreg:$0x1] =	wrdreg $0xFFFFFFFF  }
0xaf: {  	[dreg:$0x0] =	wrdreg $0x60  }
0xb0: {  	[dreg:$0x2] =	wrdreg s2  }
0xb1: {  	[dreg:$0x3] =	wrdreg s18  }
0xb2: {  	[dreg:$0x4] =	wrdreg s24  }
0xb3: {  	[dreg:$0x5] =	wrdreg s4  }
0xb4: {  	[dreg:$0x6] =	wrdreg $0x9  }
0xb5: {  	_ =	task.clear_ibuf [dreg:s9], $0x7FFFF;
	_ =	strace $0x90000046  }
0xb6: {  	s29 =	simm.s32 $0x9;
	_ =	strace $0x80000048  }
0xb7: {  	_ =	swait.ge [sflag:s29], $0x1  }
0xb8: {  	[sflag:s29] =	ssyncadd.s32 $0xFFFFFFFF  }
0xb9: {  	_ =	strace $0x90000048  }
0xba: {  	_ =	sfence  }
0xbb: {  	s30 =	sld [smem:$0x0];
	_ =	sdelay $0x2  }
0xbc: {  	s31 =	sshll.u32 s1, $0xD;
	s1 =	sshrl.u32 s1, $0x2  }
0xbd: {  	s3 =	sand.u32 $0x4000, s31;
	s1 =	sadd.s32 s1, s30  }
0xbe: {  	s0 =	sor.u32 s3, s0;
	s1 =	sshll.u32 s1, $0x11  }
0xbf: {  	s0 =	sor.u32 s1, s0  }
0xc0: {  	s0 =	sadd.s32 $0x8F2B, s0  }
0xc1: {  	[sflag:s0] =	ssyncadd.remote.s32 $0x1  }
0xc2: {  	_ =	sfence.sel $0xFFFF  }
0xc3: {  	[dreg:$0x0] =	wrdreg $0xFFFFFFFF;
	(pc) =	sbr.abs _section_cstart, $3  }
0xc4: {  	[dreg:$0x1] =	wrdreg $0xFFFFFFFF  }
0xc5: {  	_ =	task.clear_ibuf [dreg:s9], $0x2FFFF;
	_ =	strace $0x9FFFFFFF  }
0xc6: {  	(tm) =	ssettm $0x7FFFFFFF  }
0xc7: {  	_ =	shalt  }
tec
execute0_lowered:
.L_overlay_start_1:
0x0: {  	(tag) =	ssettag $0x1  }
0x1: {  	s0 =	rddreg [dreg:$0x0]  }
0x2: {  	s1 =	rddreg [dreg:$0x1]  }
0x3: {  	s2 =	rddreg [dreg:$0x2]  }
0x4: {  	s12 =	rddreg [dreg:$0x3];
	s4 =	srdreg.scid;
	s3 =	simm.s32 $0x0  }
0x5: {  	s8 =	stileid.u32;
	s18 =	simm.s32 $0x80;
	s28 =	simm.s32 $0x1  }
0x6: {  	s29 =	simm.s32 $0x5;
	s30 =	simm.s32 $0x2;
	s31 =	simm.s32 $0x6  }
0x7: {  	s17 =	simm.s32 $0x0;
	s4 =	sand.u32 $0x1, s4;
	[smem:$0x7FF] =	sst s3  }
0x8: {  	s6 =	sshll.u32 s8, $0x1;
	s2 =	sadd.s32 $0x400, s2;
	s20 =	sshrl.u32 s8, $0x2  }
0x9: {  	s5 =	ssub.s32 $0x2, s4;
	_ =	strace $0x80000047;
	s6 =	sand.u32 $0x6, s6  }
0xa: {  	s14 =	sshll.u32 s20, $0x12;
	s7 =	sshrl.u32 s5, $0x1;
	s4 =	sor.u32 s4, s6  }
0xb: {  	s13 =	ssub.s32 s5, s7;
	s21 =	sshll.u32 s4, $0x7;
	s9 =	sshll.u32 s4, $0xF  }
0xc: {  	s4 =	sshll.u32 s4, $0xC;
	s7 =	sshll.u32 s20, $0x4;
	s20 =	simm.s32 $0xA  }
0xd: {  	s10 =	sor.u32 $0x2000, s9;
	s11 =	sor.u32 $0x4000, s9;
	s4 =	sadd.s32 s2, s4  }
0xe: {  	s15 =	sor.u32 $0x6000, s9;
	s9 =	sor.u32 s14, s9;
	s0 =	sadd.s32 s0, s7  }
0xf: {  	s13 =	smax.u32 s13, $0x1;
	[dreg:$0x5] =	wrdreg s4;
	s22 =	sshrl.u32 s10, $0x3  }
0x10: {  	s23 =	sshrl.u32 s11, $0x3;
	s16 =	sshrl.u32 s15, $0x3;
	s9 =	sshrl.u32 s9, $0x3  }
0x11: {  	s8 =	sadd.s32 s21, s0;
	s24 =	sor.u32 s14, s10;
	s25 =	sor.u32 s14, s11  }
0x12: {  	s26 =	sor.u32 s14, s15;
	s21 =	simm.s32 $0x40;
	s15 =	simm.s32 $0x8  }
0x13: {  	s5 =	sadd.s32 s2, s22;
	s6 =	sadd.s32 s2, s23;
	s7 =	sadd.s32 s2, s16  }
0x14: {  	s9 =	sadd.s32 s12, s9;
	s0 =	sshrl.u32 s24, $0x3;
	s2 =	sshrl.u32 s25, $0x3  }
0x15: {  	s14 =	sshrl.u32 s26, $0x3;
	s22 =	simm.s32 $0x100;
	s23 =	simm.s32 $0x2100  }
0x16: {  	s24 =	simm.s32 $0x4100;
	s26 =	simm.s32 $0x6100;
	s16 =	simm.s32 $0x9  }
0x17: {  	s10 =	sadd.s32 s12, s0;
	s11 =	sadd.s32 s12, s2;
	s12 =	sadd.s32 s12, s14  }
0x18: {  	s0 =	simm.s32 $0x3;
	s2 =	simm.s32 $0x7;
	s14 =	simm.s32 $0x4  }
.LBB2_1:
0x19: {  	s4 =	rddreg [dreg:$0x5];
	s19 =	simm.s32 $0x8100  }
0x1a: {  	[tilespmem:s19], [sflag:$0x5] =	stream.linear.gather [hbm4b:s4+s3], $0x2000, $0x38;
	[tilespmem:$0x10100] =	vst v63  }
0x1b: {  	s25 =	simm.s32 $0xA100  }
0x1c: {  	[tilespmem:s25], [sflag:$0x6] =	stream.linear.gather [hbm4b:s5+s3], $0x2000, $0x38;
	[tilespmem:$0x10100] =	vst v63  }
0x1d: {  	s19 =	simm.s32 $0xC100  }
0x1e: {  	[tilespmem:s19], [sflag:$0x7] =	stream.linear.gather [hbm4b:s6+s3], $0x2000, $0x38;
	[tilespmem:$0x10100] =	vst v63  }
0x1f: {  	s25 =	simm.s32 $0xE100  }
0x20: {  	[tilespmem:s25], [sflag:$0x8] =	stream.linear.gather [hbm4b:s7+s3], $0x2000, $0x38;
	[tilespmem:$0x10100] =	vst v63  }
0x21: {  	s19 =	simm.s32 $0x200  }
0x22: {  	[tilespmem:s3], [sflag:$0xA] =	stream.strided.gather [hbm4b:s8+s18], $0x100, s19, s18, $0x38;
	[tilespmem:$0x10100] =	vst v63  }
0x23: {  	_ =	swait.ge [sflag:s20], $0x100  }
0x24: {  	[sflag:s20] =	ssyncset.done $0x0  }
0x25: {  	[sflag:s20] =	ssyncadd.s32 $0xFFFFFF00  }
0x26: {  	[tilespmem:s22], [sflag:$0x1] =	stream.indirect.gather [hbm4b:s1+s21], $0x80, s3, s21, $0xb8;
	[tilespmem:$0x10100] =	vst v63  }
0x27: {  	_ = 	snop  }
0x28: {  	[tilespmem:s23], [sflag:$0x2] =	stream.indirect.gather [hbm4b:s1+s21], $0x80, s21, s21, $0xb8;
	[tilespmem:$0x10100] =	vst v63  }
0x29: {  	_ = 	snop  }
0x2a: {  	[tilespmem:s24], [sflag:$0x3] =	stream.indirect.gather [hbm4b:s1+s21], $0x80, s18, s21, $0xb8;
	[tilespmem:$0x10100] =	vst v63  }
0x2b: {  	s25 =	simm.s32 $0xC0  }
0x2c: {  	[tilespmem:s26], [sflag:$0x4] =	stream.indirect.gather [hbm4b:s1+s21], $0x80, s25, s21, $0xb8;
	[tilespmem:$0x10100] =	vst v63  }
0x2d: {  	_ =	swait.ge [sflag:s28], $0x2000  }
0x2e: {  	[sflag:s28] =	ssyncset.done $0x0  }
0x2f: {  	[sflag:s28] =	ssyncadd.s32 $0xFFFFE000  }
0x30: {  	_ =	swait.ge [sflag:s29], $0x2000  }
0x31: {  	[sflag:s29] =	ssyncset.done $0x0  }
0x32: {  	s19 =	simm.s32 $0x0;
	[sflag:s29] =	ssyncadd.s32 $0xFFFFE000  }
0x33: {  	v2 =	vld [tilespmem:s19+$0x8100]  }
0x34: {  	v1 =	vld [tilespmem:s19+$0x8110]  }
0x35: {  	v3 =	vld [tilespmem:s19+$0x8120]  }
0x36: {  	v0 =	vld [tilespmem:s19+$0x8130]  }
0x37: {  	v4 =	vld [tilespmem:s19+$0x100]  }
0x38: {  	v9 =	vld [tilespmem:s19+$0x110]  }
0x39: {  	v8 =	vld [tilespmem:s19+$0x120]  }
0x3a: {  	v7 =	vld [tilespmem:s19+$0x130]  }
0x3b: {  	v6 =	vld [tilespmem:s19+$0x140]  }
0x3c: {  	v5 =	vld [tilespmem:s19+$0x150];
	v10 =	vmul.f32 $1.131370830e+01, v4  }
0x3d: {  	s25 =	simm.s32 $0x200;
	v11 =	vshll.u32 v2, $0x10;
	v9 =	vmul.f32 $1.131370830e+01, v9;
	v4 =	vld [tilespmem:s19+$0x160]  }
.LBB2_2:
0x3e: {  	s4 =	sshra.s32 s25, $0x2;
	p0 =	sne.s32 s25, $0x7E00;
	v12 =	vand.u32 $0xFFFF0000, v2;
	v10 =	vadd.f32 v11, v10;
	v8 =	vmul.f32 $1.131370830e+01, v8;
	v11 =	vld [tilespmem:s19+$0x170]  }
0x3f: {  	v2 =	vld [tilespmem:s4+$0x8100];
	v9 =	vadd.f32 v12, v9;
	v12 =	vshll.u32 v1, $0x10;
	v7 =	vmul.f32 $1.131370830e+01, v7  }
0x40: {  	[tilespmem:s19+$0x100] =	vst v10;
	v10 =	vand.u32 $0xFFFF0000, v1;
	v1 =	vld [tilespmem:s4+$0x8110];
	v8 =	vadd.f32 v12, v8;
	v6 =	vmul.f32 $1.131370830e+01, v6  }
0x41: {  	v12 =	vld [tilespmem:s4+$0x8120];
	[tilespmem:s19+$0x110] =	vst v9;
	v7 =	vadd.f32 v10, v7;
	v9 =	vshll.u32 v3, $0x10;
	v5 =	vmul.f32 $1.131370830e+01, v5  }
0x42: {  	v3 =	vand.u32 $0xFFFF0000, v3;
	v10 =	vld [tilespmem:s4+$0x8130];
	[tilespmem:s19+$0x120] =	vst v8;
	v6 =	vadd.f32 v9, v6;
	v4 =	vmul.f32 $1.131370830e+01, v4  }
0x43: {  	v9 =	vld [tilespmem:s4+$0x100];
	[tilespmem:s19+$0x130] =	vst v7;
	v14 =	vadd.f32 v3, v5;
	v5 =	vshll.u32 v0, $0x10;
	v7 =	vmul.f32 $1.131370830e+01, v11  }
0x44: {  	v0 =	vand.u32 $0xFFFF0000, v0;
	v13 =	vld [tilespmem:s4+$0x110];
	[tilespmem:s19+$0x140] =	vst v6;
	v4 =	vadd.f32 v5, v4  }
.Ltmp0:
0x45: {  	v8 =	vld [tilespmem:s4+$0x120];
	[tilespmem:s19+$0x150] =	vst v14;
	v5 =	vadd.f32 v0, v7;
	(pc) =	sbr.rel @p0 .LBB2_2-.Ltmp0, $4  }
0x46: {  	v7 =	vld [tilespmem:s4+$0x130];
	[tilespmem:s19+$0x160] =	vst v4;
	v3 =	vmov v12  }
0x47: {  	v6 =	vld [tilespmem:s4+$0x140];
	[tilespmem:s19+$0x170] =	vst v5;
	v0 =	vmov v10;
	s19 =	smov.u32 s4  }
0x48: {  	v10 =	vmul.f32 $1.131370830e+01, v9;
	v5 =	vld [tilespmem:s19+$0x150]  }
0x49: {  	s25 =	sadd.s32 $0x200, s25;
	v11 =	vshll.u32 v2, $0x10;
	v9 =	vmul.f32 $1.131370830e+01, v13;
	v4 =	vld [tilespmem:s19+$0x160]  }
0x4a: {  	v2 =	vand.u32 $0xFFFF0000, v2;
	v10 =	vadd.f32 v11, v10;
	v8 =	vmul.f32 $1.131370830e+01, v8;
	v11 =	vld [tilespmem:s19+$0x170]  }
0x4b: {  	v2 =	vadd.f32 v2, v9;
	v9 =	vshll.u32 v1, $0x10;
	v7 =	vmul.f32 $1.131370830e+01, v7  }
0x4c: {  	v1 =	vand.u32 $0xFFFF0000, v1;
	[tilespmem:s19+$0x100] =	vst v10;
	v8 =	vadd.f32 v9, v8;
	v6 =	vmul.f32 $1.131370830e+01, v6  }
0x4d: {  	[tilespmem:s19+$0x110] =	vst v2;
	v1 =	vadd.f32 v1, v7;
	v2 =	vshll.u32 v3, $0x10;
	v5 =	vmul.f32 $1.131370830e+01, v5  }
0x4e: {  	v3 =	vand.u32 $0xFFFF0000, v3;
	[tilespmem:s19+$0x120] =	vst v8;
	v2 =	vadd.f32 v2, v6;
	v4 =	vmul.f32 $1.131370830e+01, v4  }
0x4f: {  	[tilespmem:s19+$0x130] =	vst v1;
	v1 =	vadd.f32 v3, v5;
	v3 =	vshll.u32 v0, $0x10;
	v5 =	vmul.f32 $1.131370830e+01, v11  }
0x50: {  	v0 =	vand.u32 $0xFFFF0000, v0;
	[tilespmem:s19+$0x140] =	vst v2;
	v2 =	vadd.f32 v3, v4  }
0x51: {  	[tilespmem:s19+$0x150] =	vst v1;
	v0 =	vadd.f32 v0, v5  }
0x52: {  	[tilespmem:s19+$0x160] =	vst v2  }
0x53: {  	s4 =	simm.s32 $0x0;
	[tilespmem:s19+$0x170] =	vst v0  }
0x54: {  	[hbm4b:s9+s4] =	stream.linear.scatter [tilespmem:s22], [sflag:$0x9], $0x2000, $0x38;
	[tilespmem:$0x10100] =	vst v63  }
0x55: {  	_ =	swait.ge [sflag:s30], $0x2000  }
0x56: {  	[sflag:s30] =	ssyncset.done $0x0  }
0x57: {  	[sflag:s30] =	ssyncadd.s32 $0xFFFFE000  }
0x58: {  	_ =	swait.ge [sflag:s31], $0x2000  }
0x59: {  	[sflag:s31] =	ssyncset.done $0x0  }
0x5a: {  	s19 =	simm.s32 $0x0;
	[sflag:s31] =	ssyncadd.s32 $0xFFFFE000  }
0x5b: {  	v2 =	vld [tilespmem:s19+$0xA100]  }
0x5c: {  	v1 =	vld [tilespmem:s19+$0xA110]  }
0x5d: {  	v3 =	vld [tilespmem:s19+$0xA120]  }
0x5e: {  	v0 =	vld [tilespmem:s19+$0xA130]  }
0x5f: {  	v4 =	vld [tilespmem:s19+$0x2100]  }
0x60: {  	v9 =	vld [tilespmem:s19+$0x2110]  }
0x61: {  	v8 =	vld [tilespmem:s19+$0x2120]  }
0x62: {  	v7 =	vld [tilespmem:s19+$0x2130]  }
0x63: {  	v6 =	vld [tilespmem:s19+$0x2140]  }
0x64: {  	v5 =	vld [tilespmem:s19+$0x2150];
	v10 =	vmul.f32 $1.131370830e+01, v4  }
0x65: {  	s25 =	simm.s32 $0x200;
	v11 =	vshll.u32 v2, $0x10;
	v9 =	vmul.f32 $1.131370830e+01, v9;
	v4 =	vld [tilespmem:s19+$0x2160]  }
.LBB2_4:
0x66: {  	s4 =	sshra.s32 s25, $0x2;
	p0 =	sne.s32 s25, $0x7E00;
	v12 =	vand.u32 $0xFFFF0000, v2;
	v10 =	vadd.f32 v11, v10;
	v8 =	vmul.f32 $1.131370830e+01, v8;
	v11 =	vld [tilespmem:s19+$0x2170]  }
0x67: {  	v2 =	vld [tilespmem:s4+$0xA100];
	v9 =	vadd.f32 v12, v9;
	v12 =	vshll.u32 v1, $0x10;
	v7 =	vmul.f32 $1.131370830e+01, v7  }
0x68: {  	[tilespmem:s19+$0x2100] =	vst v10;
	v10 =	vand.u32 $0xFFFF0000, v1;
	v1 =	vld [tilespmem:s4+$0xA110];
	v8 =	vadd.f32 v12, v8;
	v6 =	vmul.f32 $1.131370830e+01, v6  }
0x69: {  	v12 =	vld [tilespmem:s4+$0xA120];
	[tilespmem:s19+$0x2110] =	vst v9;
	v7 =	vadd.f32 v10, v7;
	v9 =	vshll.u32 v3, $0x10;
	v5 =	vmul.f32 $1.131370830e+01, v5  }
0x6a: {  	v3 =	vand.u32 $0xFFFF0000, v3;
	v10 =	vld [tilespmem:s4+$0xA130];
	[tilespmem:s19+$0x2120] =	vst v8;
	v6 =	vadd.f32 v9, v6;
	v4 =	vmul.f32 $1.131370830e+01, v4  }
0x6b: {  	v9 =	vld [tilespmem:s4+$0x2100];
	[tilespmem:s19+$0x2130] =	vst v7;
	v14 =	vadd.f32 v3, v5;
	v5 =	vshll.u32 v0, $0x10;
	v7 =	vmul.f32 $1.131370830e+01, v11  }
0x6c: {  	v0 =	vand.u32 $0xFFFF0000, v0;
	v13 =	vld [tilespmem:s4+$0x2110];
	[tilespmem:s19+$0x2140] =	vst v6;
	v4 =	vadd.f32 v5, v4  }
.Ltmp1:
0x6d: {  	v8 =	vld [tilespmem:s4+$0x2120];
	[tilespmem:s19+$0x2150] =	vst v14;
	v5 =	vadd.f32 v0, v7;
	(pc) =	sbr.rel @p0 .LBB2_4-.Ltmp1, $4  }
0x6e: {  	v7 =	vld [tilespmem:s4+$0x2130];
	[tilespmem:s19+$0x2160] =	vst v4;
	v3 =	vmov v12  }
0x6f: {  	v6 =	vld [tilespmem:s4+$0x2140];
	[tilespmem:s19+$0x2170] =	vst v5;
	v0 =	vmov v10;
	s19 =	smov.u32 s4  }
0x70: {  	v10 =	vmul.f32 $1.131370830e+01, v9;
	v5 =	vld [tilespmem:s19+$0x2150]  }
0x71: {  	s25 =	sadd.s32 $0x200, s25;
	v11 =	vshll.u32 v2, $0x10;
	v9 =	vmul.f32 $1.131370830e+01, v13;
	v4 =	vld [tilespmem:s19+$0x2160]  }
0x72: {  	v2 =	vand.u32 $0xFFFF0000, v2;
	v10 =	vadd.f32 v11, v10;
	v8 =	vmul.f32 $1.131370830e+01, v8;
	v11 =	vld [tilespmem:s19+$0x2170]  }
0x73: {  	v2 =	vadd.f32 v2, v9;
	v9 =	vshll.u32 v1, $0x10;
	v7 =	vmul.f32 $1.131370830e+01, v7  }
0x74: {  	v1 =	vand.u32 $0xFFFF0000, v1;
	[tilespmem:s19+$0x2100] =	vst v10;
	v8 =	vadd.f32 v9, v8;
	v6 =	vmul.f32 $1.131370830e+01, v6  }
0x75: {  	[tilespmem:s19+$0x2110] =	vst v2;
	v1 =	vadd.f32 v1, v7;
	v2 =	vshll.u32 v3, $0x10;
	v5 =	vmul.f32 $1.131370830e+01, v5  }
0x76: {  	v3 =	vand.u32 $0xFFFF0000, v3;
	[tilespmem:s19+$0x2120] =	vst v8;
	v2 =	vadd.f32 v2, v6;
	v4 =	vmul.f32 $1.131370830e+01, v4  }
0x77: {  	[tilespmem:s19+$0x2130] =	vst v1;
	v1 =	vadd.f32 v3, v5;
	v3 =	vshll.u32 v0, $0x10;
	v5 =	vmul.f32 $1.131370830e+01, v11  }
0x78: {  	v0 =	vand.u32 $0xFFFF0000, v0;
	[tilespmem:s19+$0x2140] =	vst v2;
	v2 =	vadd.f32 v3, v4  }
0x79: {  	[tilespmem:s19+$0x2150] =	vst v1;
	v0 =	vadd.f32 v0, v5  }
0x7a: {  	[tilespmem:s19+$0x2160] =	vst v2  }
0x7b: {  	s4 =	simm.s32 $0x0;
	[tilespmem:s19+$0x2170] =	vst v0  }
0x7c: {  	[hbm4b:s10+s4] =	stream.linear.scatter [tilespmem:s23], [sflag:$0x9], $0x2000, $0x38;
	[tilespmem:$0x10100] =	vst v63  }
0x7d: {  	_ =	swait.ge [sflag:s0], $0x2000  }
0x7e: {  	[sflag:s0] =	ssyncset.done $0x0  }
0x7f: {  	[sflag:s0] =	ssyncadd.s32 $0xFFFFE000  }
0x80: {  	_ =	swait.ge [sflag:s2], $0x2000  }
0x81: {  	[sflag:s2] =	ssyncset.done $0x0  }
0x82: {  	s19 =	simm.s32 $0x0;
	[sflag:s2] =	ssyncadd.s32 $0xFFFFE000  }
0x83: {  	v2 =	vld [tilespmem:s19+$0xC100]  }
0x84: {  	v1 =	vld [tilespmem:s19+$0xC110]  }
0x85: {  	v3 =	vld [tilespmem:s19+$0xC120]  }
0x86: {  	v0 =	vld [tilespmem:s19+$0xC130]  }
0x87: {  	v4 =	vld [tilespmem:s19+$0x4100]  }
0x88: {  	v9 =	vld [tilespmem:s19+$0x4110]  }
0x89: {  	v8 =	vld [tilespmem:s19+$0x4120]  }
0x8a: {  	v7 =	vld [tilespmem:s19+$0x4130]  }
0x8b: {  	v6 =	vld [tilespmem:s19+$0x4140]  }
0x8c: {  	v5 =	vld [tilespmem:s19+$0x4150];
	v10 =	vmul.f32 $1.131370830e+01, v4  }
0x8d: {  	s25 =	simm.s32 $0x200;
	v11 =	vshll.u32 v2, $0x10;
	v9 =	vmul.f32 $1.131370830e+01, v9;
	v4 =	vld [tilespmem:s19+$0x4160]  }
.LBB2_6:
0x8e: {  	s4 =	sshra.s32 s25, $0x2;
	p0 =	sne.s32 s25, $0x7E00;
	v12 =	vand.u32 $0xFFFF0000, v2;
	v10 =	vadd.f32 v11, v10;
	v8 =	vmul.f32 $1.131370830e+01, v8;
	v11 =	vld [tilespmem:s19+$0x4170]  }
0x8f: {  	v2 =	vld [tilespmem:s4+$0xC100];
	v9 =	vadd.f32 v12, v9;
	v12 =	vshll.u32 v1, $0x10;
	v7 =	vmul.f32 $1.131370830e+01, v7  }
0x90: {  	[tilespmem:s19+$0x4100] =	vst v10;
	v10 =	vand.u32 $0xFFFF0000, v1;
	v1 =	vld [tilespmem:s4+$0xC110];
	v8 =	vadd.f32 v12, v8;
	v6 =	vmul.f32 $1.131370830e+01, v6  }
0x91: {  	v12 =	vld [tilespmem:s4+$0xC120];
	[tilespmem:s19+$0x4110] =	vst v9;
	v7 =	vadd.f32 v10, v7;
	v9 =	vshll.u32 v3, $0x10;
	v5 =	vmul.f32 $1.131370830e+01, v5  }
0x92: {  	v3 =	vand.u32 $0xFFFF0000, v3;
	v10 =	vld [tilespmem:s4+$0xC130];
	[tilespmem:s19+$0x4120] =	vst v8;
	v6 =	vadd.f32 v9, v6;
	v4 =	vmul.f32 $1.131370830e+01, v4  }
0x93: {  	v9 =	vld [tilespmem:s4+$0x4100];
	[tilespmem:s19+$0x4130] =	vst v7;
	v14 =	vadd.f32 v3, v5;
	v5 =	vshll.u32 v0, $0x10;
	v7 =	vmul.f32 $1.131370830e+01, v11  }
0x94: {  	v0 =	vand.u32 $0xFFFF0000, v0;
	v13 =	vld [tilespmem:s4+$0x4110];
	[tilespmem:s19+$0x4140] =	vst v6;
	v4 =	vadd.f32 v5, v4  }
.Ltmp2:
0x95: {  	v8 =	vld [tilespmem:s4+$0x4120];
	[tilespmem:s19+$0x4150] =	vst v14;
	v5 =	vadd.f32 v0, v7;
	(pc) =	sbr.rel @p0 .LBB2_6-.Ltmp2, $4  }
0x96: {  	v7 =	vld [tilespmem:s4+$0x4130];
	[tilespmem:s19+$0x4160] =	vst v4;
	v3 =	vmov v12  }
0x97: {  	v6 =	vld [tilespmem:s4+$0x4140];
	[tilespmem:s19+$0x4170] =	vst v5;
	v0 =	vmov v10;
	s19 =	smov.u32 s4  }
0x98: {  	v10 =	vmul.f32 $1.131370830e+01, v9;
	v5 =	vld [tilespmem:s19+$0x4150]  }
0x99: {  	s25 =	sadd.s32 $0x200, s25;
	v11 =	vshll.u32 v2, $0x10;
	v9 =	vmul.f32 $1.131370830e+01, v13;
	v4 =	vld [tilespmem:s19+$0x4160]  }
0x9a: {  	v2 =	vand.u32 $0xFFFF0000, v2;
	v10 =	vadd.f32 v11, v10;
	v8 =	vmul.f32 $1.131370830e+01, v8;
	v11 =	vld [tilespmem:s19+$0x4170]  }
0x9b: {  	v2 =	vadd.f32 v2, v9;
	v9 =	vshll.u32 v1, $0x10;
	v7 =	vmul.f32 $1.131370830e+01, v7  }
0x9c: {  	v1 =	vand.u32 $0xFFFF0000, v1;
	[tilespmem:s19+$0x4100] =	vst v10;
	v8 =	vadd.f32 v9, v8;
	v6 =	vmul.f32 $1.131370830e+01, v6  }
0x9d: {  	[tilespmem:s19+$0x4110] =	vst v2;
	v1 =	vadd.f32 v1, v7;
	v2 =	vshll.u32 v3, $0x10;
	v5 =	vmul.f32 $1.131370830e+01, v5  }
0x9e: {  	v3 =	vand.u32 $0xFFFF0000, v3;
	[tilespmem:s19+$0x4120] =	vst v8;
	v2 =	vadd.f32 v2, v6;
	v4 =	vmul.f32 $1.131370830e+01, v4  }
0x9f: {  	[tilespmem:s19+$0x4130] =	vst v1;
	v1 =	vadd.f32 v3, v5;
	v3 =	vshll.u32 v0, $0x10;
	v5 =	vmul.f32 $1.131370830e+01, v11  }
0xa0: {  	v0 =	vand.u32 $0xFFFF0000, v0;
	[tilespmem:s19+$0x4140] =	vst v2;
	v2 =	vadd.f32 v3, v4  }
0xa1: {  	[tilespmem:s19+$0x4150] =	vst v1;
	v0 =	vadd.f32 v0, v5  }
0xa2: {  	[tilespmem:s19+$0x4160] =	vst v2  }
0xa3: {  	s4 =	simm.s32 $0x0;
	[tilespmem:s19+$0x4170] =	vst v0  }
0xa4: {  	[hbm4b:s11+s4] =	stream.linear.scatter [tilespmem:s24], [sflag:$0x9], $0x2000, $0x38;
	[tilespmem:$0x10100] =	vst v63  }
0xa5: {  	_ =	swait.ge [sflag:s14], $0x2000  }
0xa6: {  	[sflag:s14] =	ssyncset.done $0x0  }
0xa7: {  	[sflag:s14] =	ssyncadd.s32 $0xFFFFE000  }
0xa8: {  	_ =	swait.ge [sflag:s15], $0x2000  }
0xa9: {  	[sflag:s15] =	ssyncset.done $0x0  }
0xaa: {  	s19 =	simm.s32 $0x0;
	[sflag:s15] =	ssyncadd.s32 $0xFFFFE000  }
0xab: {  	v2 =	vld [tilespmem:s19+$0xE100]  }
0xac: {  	v1 =	vld [tilespmem:s19+$0xE110]  }
0xad: {  	v3 =	vld [tilespmem:s19+$0xE120]  }
0xae: {  	v0 =	vld [tilespmem:s19+$0xE130]  }
0xaf: {  	v4 =	vld [tilespmem:s19+$0x6100]  }
0xb0: {  	v9 =	vld [tilespmem:s19+$0x6110]  }
0xb1: {  	v8 =	vld [tilespmem:s19+$0x6120]  }
0xb2: {  	v7 =	vld [tilespmem:s19+$0x6130]  }
0xb3: {  	v6 =	vld [tilespmem:s19+$0x6140]  }
0xb4: {  	v5 =	vld [tilespmem:s19+$0x6150];
	v10 =	vmul.f32 $1.131370830e+01, v4  }
0xb5: {  	s25 =	simm.s32 $0x200;
	v11 =	vshll.u32 v2, $0x10;
	v9 =	vmul.f32 $1.131370830e+01, v9;
	v4 =	vld [tilespmem:s19+$0x6160]  }
.LBB2_8:
0xb6: {  	s4 =	sshra.s32 s25, $0x2;
	p0 =	sne.s32 s25, $0x7E00;
	v12 =	vand.u32 $0xFFFF0000, v2;
	v10 =	vadd.f32 v11, v10;
	v8 =	vmul.f32 $1.131370830e+01, v8;
	v11 =	vld [tilespmem:s19+$0x6170]  }
0xb7: {  	v2 =	vld [tilespmem:s4+$0xE100];
	v9 =	vadd.f32 v12, v9;
	v12 =	vshll.u32 v1, $0x10;
	v7 =	vmul.f32 $1.131370830e+01, v7  }
0xb8: {  	[tilespmem:s19+$0x6100] =	vst v10;
	v10 =	vand.u32 $0xFFFF0000, v1;
	v1 =	vld [tilespmem:s4+$0xE110];
	v8 =	vadd.f32 v12, v8;
	v6 =	vmul.f32 $1.131370830e+01, v6  }
0xb9: {  	v12 =	vld [tilespmem:s4+$0xE120];
	[tilespmem:s19+$0x6110] =	vst v9;
	v7 =	vadd.f32 v10, v7;
	v9 =	vshll.u32 v3, $0x10;
	v5 =	vmul.f32 $1.131370830e+01, v5  }
0xba: {  	v3 =	vand.u32 $0xFFFF0000, v3;
	v10 =	vld [tilespmem:s4+$0xE130];
	[tilespmem:s19+$0x6120] =	vst v8;
	v6 =	vadd.f32 v9, v6;
	v4 =	vmul.f32 $1.131370830e+01, v4  }
0xbb: {  	v9 =	vld [tilespmem:s4+$0x6100];
	[tilespmem:s19+$0x6130] =	vst v7;
	v14 =	vadd.f32 v3, v5;
	v5 =	vshll.u32 v0, $0x10;
	v7 =	vmul.f32 $1.131370830e+01, v11  }
0xbc: {  	v0 =	vand.u32 $0xFFFF0000, v0;
	v13 =	vld [tilespmem:s4+$0x6110];
	[tilespmem:s19+$0x6140] =	vst v6;
	v4 =	vadd.f32 v5, v4  }
.Ltmp3:
0xbd: {  	v8 =	vld [tilespmem:s4+$0x6120];
	[tilespmem:s19+$0x6150] =	vst v14;
	v5 =	vadd.f32 v0, v7;
	(pc) =	sbr.rel @p0 .LBB2_8-.Ltmp3, $4  }
0xbe: {  	v7 =	vld [tilespmem:s4+$0x6130];
	[tilespmem:s19+$0x6160] =	vst v4;
	v3 =	vmov v12  }
0xbf: {  	v6 =	vld [tilespmem:s4+$0x6140];
	[tilespmem:s19+$0x6170] =	vst v5;
	v0 =	vmov v10;
	s19 =	smov.u32 s4  }
0xc0: {  	v10 =	vmul.f32 $1.131370830e+01, v9;
	v5 =	vld [tilespmem:s19+$0x6150]  }
0xc1: {  	s25 =	sadd.s32 $0x200, s25;
	v11 =	vshll.u32 v2, $0x10;
	v9 =	vmul.f32 $1.131370830e+01, v13;
	v4 =	vld [tilespmem:s19+$0x6160]  }
0xc2: {  	v2 =	vand.u32 $0xFFFF0000, v2;
	v10 =	vadd.f32 v11, v10;
	v8 =	vmul.f32 $1.131370830e+01, v8;
	v54 =	vld [tilespmem:s19+$0x6170]  }
0xc3: {  	v55 =	vshll.u32 v1, $0x10;
	v2 =	vadd.f32 v2, v9;
	v7 =	vmul.f32 $1.131370830e+01, v7  }
0xc4: {  	v56 =	vand.u32 $0xFFFF0000, v1;
	[tilespmem:s19+$0x6100] =	vst v10;
	v8 =	vadd.f32 v55, v8;
	v6 =	vmul.f32 $1.131370830e+01, v6  }
0xc5: {  	v57 =	vshll.u32 v3, $0x10;
	[tilespmem:s19+$0x6110] =	vst v2;
	v1 =	vadd.f32 v56, v7;
	v5 =	vmul.f32 $1.131370830e+01, v5  }
0xc6: {  	v58 =	vand.u32 $0xFFFF0000, v3;
	[tilespmem:s19+$0x6120] =	vst v8;
	v2 =	vadd.f32 v57, v6;
	v4 =	vmul.f32 $1.131370830e+01, v4  }
0xc7: {  	v60 =	vshll.u32 v0, $0x10;
	[tilespmem:s19+$0x6130] =	vst v1;
	v59 =	vadd.f32 v58, v5;
	v61 =	vmul.f32 $1.131370830e+01, v54  }
0xc8: {  	v62 =	vand.u32 $0xFFFF0000, v0;
	[tilespmem:s19+$0x6140] =	vst v2;
	v63 =	vadd.f32 v60, v4  }
0xc9: {  	[tilespmem:s19+$0x6150] =	vst v59;
	v0 =	vadd.f32 v62, v61  }
0xca: {  	[tilespmem:s19+$0x6160] =	vst v63  }
0xcb: {  	[tilespmem:s19+$0x6170] =	vst v0  }
0xcc: {  	[hbm4b:s12+s3] =	stream.linear.scatter [tilespmem:s26], [sflag:$0x9], $0x2000, $0x38;
	[tilespmem:$0x10100] =	vst v63  }
0xcd: {  	_ =	swait.ge [sflag:s16], $0x2000  }
0xce: {  	[sflag:s16] =	ssyncset.done $0x0  }
0xcf: {  	[sflag:s16] =	ssyncadd.s32 $0xFFFFE000  }
0xd0: {  	_ =	swait.ge [sflag:s16], $0x2000  }
0xd1: {  	[sflag:s16] =	ssyncset.done $0x0  }
0xd2: {  	s17 =	sadd.s32 $0x1, s17;
	[sflag:s16] =	ssyncadd.s32 $0xFFFFE000  }
0xd3: {  	p0 =	sne.s32 s17, s13;
	_ =	swait.ge [sflag:s16], $0x2000  }
.Ltmp4:
0xd4: {  	[sflag:s16] =	ssyncset.done $0x0;
	(pc) =	sbr.rel @p0 .LBB2_1-.Ltmp4, $4  }
0xd5: {  	[sflag:s16] =	ssyncadd.s32 $0xFFFFE000  }
0xd6: {  	_ =	swait.ge [sflag:s16], $0x2000  }
0xd7: {  	[sflag:s16] =	ssyncset.done $0x0  }
0xd8: {  	[sflag:s16] =	ssyncadd.s32 $0xFFFFE000  }
0xd9: {  	_ =	sfence.sel $0x180000  }
0xda: {  	[bflag:$0x0] =	sbarrier.arrive $0xFFFF  }
0xdb: {  	_ =	strace $0x90000047  }
0xdc: {  	s0 =	stileid.u32;
	[bflag:$0x2] =	sbarrier.arrive $0xFFFF  }
0xdd: {  	p0 =	sne.s32 s0, $0x0;
	s0 =	rddreg [dreg:$0x4]  }
0xde: {  	s0 =	sadd.s32 @!p0 $0x100000, s0  }
0xdf: {  	[sflag:s0] =	ssyncadd.tile.s32 @!p0 $0x1;
	_ =	shalt  }
.Lfunc_end2:
_tile_overlayer_lowered:
.L_overlay_start_2:
0xe0: {  	(tag) =	ssettag $0x2  }
0xe1: {  	s0 =	rddreg [dreg:$0x0];
	s2 =	stileid.u32  }
0xe2: {  	s1 =	rddreg [dreg:$0x1];
	p0 =	sne.s32 s2, $0x0  }
0xe3: {  	s3 =	rddreg [dreg:$0x2];
	[bflag:$0x3] =	sbarrier.arrive $0xFFFF;
	s2 =	simm.s32 @!p0 $0x1C0A  }
0xe4: {  	[timem:s3], [sflag:s2] =	dma.local @!p0 [hbm:s0], s1  }
0xe5: {  	s0 =	simm.s32 @!p0 $0xA  }
0xe6: {  	_ =	swait.ge @!p0 [sflag:s0], s1  }
0xe7: {  	s1 =	ssub.s32 @!p0 $0x0, s1;
	[sflag:s0] =	ssyncset.done @!p0 $0x0  }
0xe8: {  	[sflag:s0] =	ssyncadd.s32 @!p0 s1  }
0xe9: {  	[bflag:$0x3] =	sbarrier.arrive $0xFFFF  }
0xea: {  	_ =	shalt  }

</sc_bundles>
